<compile_context>
chip_gen: v7x
topology: tpu7x:2x2x1
jax: 0.10.2.dev20260603
libtpu: 0.0.44.dev20260713+nightly
codegen_flags: <defaults>
</compile_context>

<pallas_src>
import jax
import jax.numpy as jnp
from jax import lax
from jax.experimental import pallas as pl
from jax.experimental.pallas import tpu as pltpu
from jax.experimental.pallas import tpu_sc as plsc

N_VOCAB = 1000000
D = 32
NC = 2
NS = 16
NW = NC * NS
B = 16384 * 50
B_PER_W = B // NW
CHUNK = 128
NCHUNK = B_PER_W // CHUNK
UNROLL = 4


def _embed_body(ids_hbm, table_hbm, out_hbm, idx_v, rows_v, out_v, sem_in, sem_out):
    wid = lax.axis_index("s") * NC + lax.axis_index("c")
    base = wid * B_PER_W
    pltpu.sync_copy(ids_hbm.at[pl.ds(base, B_PER_W)], idx_v)

    ev = lax.iota(jnp.int32, 16) * 2

    def start_gather(j, p):
        pltpu.async_copy(
            table_hbm.at[idx_v.at[pl.ds(j * CHUNK, CHUNK)]], rows_v[p], sem_in[p]
        )

    start_gather(0, 0)
    start_gather(1, 1)

    def pair_body(j0, _):
        for p in range(2):
            j = j0 * 2 + p
            pltpu.make_async_copy(
                table_hbm.at[idx_v.at[pl.ds(j * CHUNK, CHUNK)]], rows_v[p], sem_in[p]
            ).wait()
            @pl.when(j >= 2)
            def _():
                pltpu.make_async_copy(
                    out_v[p], out_hbm.at[pl.ds((base + (j - 2) * CHUNK) * D, CHUNK * D)],
                    sem_out[p],
                ).wait()

            def row_body(r0, _):
                for rr in range(UNROLL):
                    r = r0 * UNROLL + rr
                    r_b = jnp.full((16,), r, jnp.int32)
                    ve = plsc.load_gather(rows_v[p], [r_b, ev])
                    vo = plsc.load_gather(rows_v[p], [r_b, ev + 1])
                    out_v[p][pl.ds(r * D, D)] = plsc.pack(
                        ve, vo, format=plsc.PackFormat.INTERLEAVED
                    )
                return 0

            lax.fori_loop(0, CHUNK // UNROLL, row_body, 0)

            @pl.when(j + 2 < NCHUNK)
            def _():
                start_gather(j + 2, p)

            pltpu.async_copy(
                out_v[p], out_hbm.at[pl.ds((base + j * CHUNK) * D, CHUNK * D)], sem_out[p]
            )
        return 0

    lax.fori_loop(0, NCHUNK // 2, pair_body, 0)

    for p in range(2):
        j = NCHUNK - 2 + p
        pltpu.make_async_copy(
            out_v[p], out_hbm.at[pl.ds((base + j * CHUNK) * D, CHUNK * D)], sem_out[p]
        ).wait()


@jax.jit
def _embed(ids_flat, table):
    mesh = plsc.VectorSubcoreMesh(
        core_axis_name="c", subcore_axis_name="s", num_cores=NC, num_subcores=NS
    )
    f = pl.kernel(
        _embed_body,
        out_type=jax.ShapeDtypeStruct((B * D,), jnp.bfloat16),
        mesh=mesh,
        scratch_types=[
            pltpu.VMEM((B_PER_W,), jnp.int32),
            [pltpu.VMEM((CHUNK, D), jnp.float32) for _ in range(2)],
            [pltpu.VMEM((CHUNK * D,), jnp.bfloat16) for _ in range(2)],
            [pltpu.SemaphoreType.DMA for _ in range(2)],
            [pltpu.SemaphoreType.DMA for _ in range(2)],
        ],
        compiler_params=pltpu.CompilerParams(
            needs_layout_passes=False, use_tc_tiling_on_sc=False
        ),
    )
    return f(ids_flat, table)


def kernel(ids, embedding):
    out = _embed(ids.astype(jnp.int32).reshape(-1), embedding)
    return out.reshape(ids.shape[0], ids.shape[1], D)

# --- scband reference (transcript-rebuilt; emitter-appended) ---
"""Pipeline reference for scband-embed-block-4690104287381 (READ-ONLY COPY).

The authoritative reference and input builder live on the scoring server;
editing this copy changes nothing except your own understanding.
"""

import jax, jax.numpy as jnp
import numpy as np

N_VOCAB = 1000000
D_MODEL = 32

def setup_inputs(seed: int = 0) -> dict:
    key = jax.random.key(seed)
    k_ids, k_emb = jax.random.split(key)
    ids = jax.random.randint(k_ids, (16384, 50), 0, N_VOCAB, dtype=jnp.int64 if jax.config.jax_enable_x64 else jnp.int32)
    # nn.Embed with embedding_init=normal(stddev=1.0); param stored in float32
    embedding = jax.random.normal(k_emb, (N_VOCAB, D_MODEL), dtype=jnp.float32)
    return {"ids": ids, "embedding": embedding}

def reference(ids, embedding):
    # nn.Embed with dtype=bfloat16 casts the embedding table to bf16 before lookup
    table = embedding.astype(jnp.bfloat16)
    out = jnp.take(table, ids, axis=0)
    return out

if __name__ == "__main__":
    import jax
    _d = setup_inputs()
    print(jax.jit(kernel)(*tuple(_d.values())))

</pallas_src>

<mosaic_0001>
#map = affine_map<(d0, d1) -> (0)>
#map1 = affine_map<(d0, d1) -> (0, 0)>
module attributes {stable_mosaic.version = 14 : i64} {
  func.func @_embed_body(%arg0: i32, %arg1: i32, %arg2: memref<819200xi32, #tpu.memory_space<hbm>>, %arg3: memref<1000000x32xf32, #tpu.memory_space<hbm>>, %arg4: memref<26214400xbf16, #tpu.memory_space<hbm>>, %arg5: memref<25600xi32, #tpu.memory_space<vmem>>, %arg6: memref<128x32xf32, #tpu.memory_space<vmem>>, %arg7: memref<128x32xf32, #tpu.memory_space<vmem>>, %arg8: memref<4096xbf16, #tpu.memory_space<vmem>>, %arg9: memref<4096xbf16, #tpu.memory_space<vmem>>, %arg10: memref<!tpu.dma_semaphore, #tpu.memory_space<semaphore_mem>>, %arg11: memref<!tpu.dma_semaphore, #tpu.memory_space<semaphore_mem>>, %arg12: memref<!tpu.dma_semaphore, #tpu.memory_space<semaphore_mem>>, %arg13: memref<!tpu.dma_semaphore, #tpu.memory_space<semaphore_mem>>) attributes {dimension_semantics = [#tpu.dimension_semantics<core_parallel>, #tpu.dimension_semantics<subcore_parallel>], iteration_bounds = array<i64: 2, 16>, scalar_prefetch = 0 : i64, scratch_operands = 9 : i64, tpu.core_type = #tpu.core_type<sc_vector_subcore>, window_params = [{transform_indices = #map}, {transform_indices = #map1}, {transform_indices = #map}]} {
    %mul3A = arith.constant 2 : i32
    %mul3A_0 = arith.muli %arg1, %mul3A : i32
    %add3A = arith.addi %mul3A_0, %arg0 : i32
    %mul3A_1 = arith.constant 25600 : i32
    %mul3A_2 = arith.muli %add3A, %mul3A_1 : i32
    "tpu.region"() ({
      %run_scoped3A = tpu.sem_alloc : memref<!tpu.dma_semaphore, #tpu.memory_space<semaphore_mem>>
      %dma_start3A_32 = tpu.memref_slice %arg2[%mul3A_2] : memref<819200xi32, #tpu.memory_space<hbm>> -> memref<25600xi32, #tpu.memory_space<hbm>>
      %dma_start3A_33 = tpu.memref_slice %arg2[%mul3A_2] : memref<819200xi32, #tpu.memory_space<hbm>> -> memref<25600xi32, #tpu.memory_space<hbm>>
      tpu.enqueue_dma source(%dma_start3A_33 : memref<25600xi32, #tpu.memory_space<hbm>>) target(%arg5 : memref<25600xi32, #tpu.memory_space<vmem>>) target_semaphore(%run_scoped3A : memref<!tpu.dma_semaphore, #tpu.memory_space<semaphore_mem>>)
      %dma_wait3A_34 = tpu.memref_slice %arg2[%mul3A_2] : memref<819200xi32, #tpu.memory_space<hbm>> -> memref<25600xi32, #tpu.memory_space<hbm>>
      %dma_wait3A_35 = tpu.memref_slice %arg2[%mul3A_2] : memref<819200xi32, #tpu.memory_space<hbm>> -> memref<25600xi32, #tpu.memory_space<hbm>>
      tpu.wait_dma2 semaphore(%run_scoped3A : memref<!tpu.dma_semaphore, #tpu.memory_space<semaphore_mem>>) src(%dma_wait3A_35 : memref<25600xi32, #tpu.memory_space<hbm>>) dst(%arg5 : memref<25600xi32, #tpu.memory_space<vmem>>)
      tpu.yield
    }) : () -> ()
    %iota3A = tpu.iota {dimensions = array<i32: 0>} : vector<16xi32>
    %mul3A_3 = arith.constant 2 : i32
    %mul3A_4 = vector.broadcast %mul3A_3 : i32 to vector<16xi32>
    %mul3A_5 = arith.muli %iota3A, %mul3A_4 : vector<16xi32>
    %dma_start3A = arith.constant 0 : i32
    %dma_start3A_6 = tpu.memref_slice %arg5[%dma_start3A] : memref<25600xi32, #tpu.memory_space<vmem>> -> memref<128xi32, #tpu.memory_space<vmem>>
    %dma_start3A_7 = arith.constant 0 : i32
    %dma_start3A_8 = arith.constant 0 : i32
    %dma_start3A_9 = tpu.memref_slice %arg3[%dma_start3A_7, %dma_start3A_8] : memref<1000000x32xf32, #tpu.memory_space<hbm>> -> memref<1000000x32xf32, #tpu.memory_space<hbm>>
    tpu.enqueue_indirect_dma source(%dma_start3A_9 : memref<1000000x32xf32, #tpu.memory_space<hbm>>) target(%arg6 : memref<128x32xf32, #tpu.memory_space<vmem>>) offsets(%dma_start3A_6 : memref<128xi32, #tpu.memory_space<vmem>>) semaphore(%arg10 : memref<!tpu.dma_semaphore, #tpu.memory_space<semaphore_mem>>)
    %dma_start3A_10 = arith.constant 128 : i32
    %dma_start3A_11 = tpu.memref_slice %arg5[%dma_start3A_10] : memref<25600xi32, #tpu.memory_space<vmem>> -> memref<128xi32, #tpu.memory_space<vmem>>
    %dma_start3A_12 = arith.constant 0 : i32
    %dma_start3A_13 = arith.constant 0 : i32
    %dma_start3A_14 = tpu.memref_slice %arg3[%dma_start3A_12, %dma_start3A_13] : memref<1000000x32xf32, #tpu.memory_space<hbm>> -> memref<1000000x32xf32, #tpu.memory_space<hbm>>
    tpu.enqueue_indirect_dma source(%dma_start3A_14 : memref<1000000x32xf32, #tpu.memory_space<hbm>>) target(%arg7 : memref<128x32xf32, #tpu.memory_space<vmem>>) offsets(%dma_start3A_11 : memref<128xi32, #tpu.memory_space<vmem>>) semaphore(%arg11 : memref<!tpu.dma_semaphore, #tpu.memory_space<semaphore_mem>>)
    %scan3A = arith.constant 0 : i32
    %scan3A_15 = arith.constant 0 : i32
    %scan3A_16 = arith.constant 100 : i32
    %scan3A_17 = arith.addi %scan3A_15, %scan3A_16 : i32
    %scan3A_18 = arith.constant 1 : i32
    %scan3A_19 = scf.for %scan3A_32 = %scan3A_15 to %scan3A_17 step %scan3A_18 iter_args(%scan3A_33 = %scan3A) -> (i32)  : i32 {
      %mul3A_34 = arith.constant 2 : i32
      %mul3A_35 = arith.muli %scan3A_32, %mul3A_34 : i32
      %add3A_36 = arith.constant 0 : i32
      %add3A_37 = arith.addi %mul3A_35, %add3A_36 : i32
      %mul3A_38 = arith.constant 128 : i32
      %mul3A_39 = arith.muli %add3A_37, %mul3A_38 : i32
      %dma_wait3A_40 = tpu.memref_slice %arg5[%mul3A_39] : memref<25600xi32, #tpu.memory_space<vmem>> -> memref<128xi32, #tpu.memory_space<vmem>>
      %dma_wait3A_41 = arith.constant 0 : i32
      %dma_wait3A_42 = arith.constant 0 : i32
      %dma_wait3A_43 = tpu.memref_slice %arg3[%dma_wait3A_41, %dma_wait3A_42] : memref<1000000x32xf32, #tpu.memory_space<hbm>> -> memref<1000000x32xf32, #tpu.memory_space<hbm>>
      tpu.wait_indirect_dma semaphore(%arg10 : memref<!tpu.dma_semaphore, #tpu.memory_space<semaphore_mem>>) src(%dma_wait3A_43 : memref<1000000x32xf32, #tpu.memory_space<hbm>>) dst(%arg6 : memref<128x32xf32, #tpu.memory_space<vmem>>)
      %ge3A = arith.constant 2 : i32
      %ge3A_44 = arith.cmpi sge, %add3A_37, %ge3A : i32
      %convert_element_type3A = arith.extui %ge3A_44 : i1 to i32
      %cond3A = arith.constant 0 : i32
      %cond3A_45 = arith.cmpi ne, %convert_element_type3A, %cond3A : i32
      scf.if %cond3A_45 {
        %sub3A = arith.constant 2 : i32
        %sub3A_103 = arith.subi %add3A_37, %sub3A : i32
        %mul3A_104 = arith.constant 128 : i32
        %mul3A_105 = arith.muli %sub3A_103, %mul3A_104 : i32
        %add3A_106 = arith.addi %mul3A_2, %mul3A_105 : i32
        %mul3A_107 = arith.constant 32 : i32
        %mul3A_108 = arith.muli %add3A_106, %mul3A_107 : i32
        %dma_wait3A_109 = tpu.memref_slice %arg4[%mul3A_108] : memref<26214400xbf16, #tpu.memory_space<hbm>> -> memref<4096xbf16, #tpu.memory_space<hbm>>
        %dma_wait3A_110 = tpu.memref_slice %arg4[%mul3A_108] : memref<26214400xbf16, #tpu.memory_space<hbm>> -> memref<4096xbf16, #tpu.memory_space<hbm>>
        tpu.wait_dma2 semaphore(%arg12 : memref<!tpu.dma_semaphore, #tpu.memory_space<semaphore_mem>>) src(%arg8 : memref<4096xbf16, #tpu.memory_space<vmem>>) dst(%dma_wait3A_110 : memref<4096xbf16, #tpu.memory_space<hbm>>)
      } else {
      }
      %scan3A_46 = arith.constant 0 : i32
      %scan3A_47 = arith.constant 0 : i32
      %scan3A_48 = arith.constant 32 : i32
      %scan3A_49 = arith.addi %scan3A_47, %scan3A_48 : i32
      %scan3A_50 = arith.constant 1 : i32
      %scan3A_51 = scf.for %scan3A_103 = %scan3A_47 to %scan3A_49 step %scan3A_50 iter_args(%scan3A_104 = %scan3A_46) -> (i32)  : i32 {
        %mul3A_105 = arith.constant 4 : i32
        %mul3A_106 = arith.muli %scan3A_103, %mul3A_105 : i32
        %add3A_107 = arith.constant 0 : i32
        %add3A_108 = arith.addi %mul3A_106, %add3A_107 : i32
        %broadcast_in_dim3A = vector.broadcast %add3A_108 : i32 to vector<16xi32>
        %gather3A = tpu.vector_load_idx %arg6[%broadcast_in_dim3A, %mul3A_5] : memref<128x32xf32, #tpu.memory_space<vmem>>[vector<16xi32>, vector<16xi32>], vector<16xf32>,
        %add3A_109 = arith.constant 1 : i32
        %add3A_110 = vector.broadcast %add3A_109 : i32 to vector<16xi32>
        %add3A_111 = arith.addi %mul3A_5, %add3A_110 : vector<16xi32>
        %gather3A_112 = tpu.vector_load_idx %arg6[%broadcast_in_dim3A, %add3A_111] : memref<128x32xf32, #tpu.memory_space<vmem>>[vector<16xi32>, vector<16xi32>], vector<16xf32>,
        %pack3A = tpu.pack_subelements %gather3A, %gather3A_112 {pack_format = #tpu.pack_format<interleaved>, positions = array<i32: 0, 1>} : vector<16xf32>, vector<16xf32> -> vector<32xbf16>
        %mul3A_113 = arith.constant 32 : i32
        %mul3A_114 = arith.muli %add3A_108, %mul3A_113 : i32
        %swap3A = arith.index_cast %mul3A_114 : i32 to index
        %swap3A_115 = tpu.vector_load %arg8[%swap3A] {strides = array<i32>} : memref<4096xbf16, #tpu.memory_space<vmem>>, vector<32xbf16>,
        tpu.vector_store %arg8[%swap3A], %pack3A {strides = array<i32>} : memref<4096xbf16, #tpu.memory_space<vmem>>, vector<32xbf16>,
        %mul3A_116 = arith.constant 4 : i32
        %mul3A_117 = arith.muli %scan3A_103, %mul3A_116 : i32
        %add3A_118 = arith.constant 1 : i32
        %add3A_119 = arith.addi %mul3A_117, %add3A_118 : i32
        %broadcast_in_dim3A_120 = vector.broadcast %add3A_119 : i32 to vector<16xi32>
        %gather3A_121 = tpu.vector_load_idx %arg6[%broadcast_in_dim3A_120, %mul3A_5] : memref<128x32xf32, #tpu.memory_space<vmem>>[vector<16xi32>, vector<16xi32>], vector<16xf32>,
        %add3A_122 = arith.constant 1 : i32
        %add3A_123 = vector.broadcast %add3A_122 : i32 to vector<16xi32>
        %add3A_124 = arith.addi %mul3A_5, %add3A_123 : vector<16xi32>
        %gather3A_125 = tpu.vector_load_idx %arg6[%broadcast_in_dim3A_120, %add3A_124] : memref<128x32xf32, #tpu.memory_space<vmem>>[vector<16xi32>, vector<16xi32>], vector<16xf32>,
        %pack3A_126 = tpu.pack_subelements %gather3A_121, %gather3A_125 {pack_format = #tpu.pack_format<interleaved>, positions = array<i32: 0, 1>} : vector<16xf32>, vector<16xf32> -> vector<32xbf16>
        %mul3A_127 = arith.constant 32 : i32
        %mul3A_128 = arith.muli %add3A_119, %mul3A_127 : i32
        %swap3A_129 = arith.index_cast %mul3A_128 : i32 to index
        %swap3A_130 = tpu.vector_load %arg8[%swap3A_129] {strides = array<i32>} : memref<4096xbf16, #tpu.memory_space<vmem>>, vector<32xbf16>,
        tpu.vector_store %arg8[%swap3A_129], %pack3A_126 {strides = array<i32>} : memref<4096xbf16, #tpu.memory_space<vmem>>, vector<32xbf16>,
        %mul3A_131 = arith.constant 4 : i32
        %mul3A_132 = arith.muli %scan3A_103, %mul3A_131 : i32
        %add3A_133 = arith.constant 2 : i32
        %add3A_134 = arith.addi %mul3A_132, %add3A_133 : i32
        %broadcast_in_dim3A_135 = vector.broadcast %add3A_134 : i32 to vector<16xi32>
        %gather3A_136 = tpu.vector_load_idx %arg6[%broadcast_in_dim3A_135, %mul3A_5] : memref<128x32xf32, #tpu.memory_space<vmem>>[vector<16xi32>, vector<16xi32>], vector<16xf32>,
        %add3A_137 = arith.constant 1 : i32
        %add3A_138 = vector.broadcast %add3A_137 : i32 to vector<16xi32>
        %add3A_139 = arith.addi %mul3A_5, %add3A_138 : vector<16xi32>
        %gather3A_140 = tpu.vector_load_idx %arg6[%broadcast_in_dim3A_135, %add3A_139] : memref<128x32xf32, #tpu.memory_space<vmem>>[vector<16xi32>, vector<16xi32>], vector<16xf32>,
        %pack3A_141 = tpu.pack_subelements %gather3A_136, %gather3A_140 {pack_format = #tpu.pack_format<interleaved>, positions = array<i32: 0, 1>} : vector<16xf32>, vector<16xf32> -> vector<32xbf16>
        %mul3A_142 = arith.constant 32 : i32
        %mul3A_143 = arith.muli %add3A_134, %mul3A_142 : i32
        %swap3A_144 = arith.index_cast %mul3A_143 : i32 to index
        %swap3A_145 = tpu.vector_load %arg8[%swap3A_144] {strides = array<i32>} : memref<4096xbf16, #tpu.memory_space<vmem>>, vector<32xbf16>,
        tpu.vector_store %arg8[%swap3A_144], %pack3A_141 {strides = array<i32>} : memref<4096xbf16, #tpu.memory_space<vmem>>, vector<32xbf16>,
        %mul3A_146 = arith.constant 4 : i32
        %mul3A_147 = arith.muli %scan3A_103, %mul3A_146 : i32
        %add3A_148 = arith.constant 3 : i32
        %add3A_149 = arith.addi %mul3A_147, %add3A_148 : i32
        %broadcast_in_dim3A_150 = vector.broadcast %add3A_149 : i32 to vector<16xi32>
        %gather3A_151 = tpu.vector_load_idx %arg6[%broadcast_in_dim3A_150, %mul3A_5] : memref<128x32xf32, #tpu.memory_space<vmem>>[vector<16xi32>, vector<16xi32>], vector<16xf32>,
        %add3A_152 = arith.constant 1 : i32
        %add3A_153 = vector.broadcast %add3A_152 : i32 to vector<16xi32>
        %add3A_154 = arith.addi %mul3A_5, %add3A_153 : vector<16xi32>
        %gather3A_155 = tpu.vector_load_idx %arg6[%broadcast_in_dim3A_150, %add3A_154] : memref<128x32xf32, #tpu.memory_space<vmem>>[vector<16xi32>, vector<16xi32>], vector<16xf32>,
        %pack3A_156 = tpu.pack_subelements %gather3A_151, %gather3A_155 {pack_format = #tpu.pack_format<interleaved>, positions = array<i32: 0, 1>} : vector<16xf32>, vector<16xf32> -> vector<32xbf16>
        %mul3A_157 = arith.constant 32 : i32
        %mul3A_158 = arith.muli %add3A_149, %mul3A_157 : i32
        %swap3A_159 = arith.index_cast %mul3A_158 : i32 to index
        %swap3A_160 = tpu.vector_load %arg8[%swap3A_159] {strides = array<i32>} : memref<4096xbf16, #tpu.memory_space<vmem>>, vector<32xbf16>,
        tpu.vector_store %arg8[%swap3A_159], %pack3A_156 {strides = array<i32>} : memref<4096xbf16, #tpu.memory_space<vmem>>, vector<32xbf16>,
        %scan3A_161 = arith.constant 0 : i32
        scf.yield %scan3A_161 : i32
      }
      %scan3A_52 = arith.constant 32 : i32
      %add3A_53 = arith.constant 2 : i32
      %add3A_54 = arith.addi %add3A_37, %add3A_53 : i32
      %lt3A = arith.constant 200 : i32
      %lt3A_55 = arith.cmpi slt, %add3A_54, %lt3A : i32
      %convert_element_type3A_56 = arith.extui %lt3A_55 : i1 to i32
      %cond3A_57 = arith.constant 0 : i32
      %cond3A_58 = arith.cmpi ne, %convert_element_type3A_56, %cond3A_57 : i32
      scf.if %cond3A_58 {
        %add3A_103 = arith.constant 2 : i32
        %add3A_104 = arith.addi %add3A_37, %add3A_103 : i32
        %mul3A_105 = arith.constant 128 : i32
        %mul3A_106 = arith.muli %add3A_104, %mul3A_105 : i32
        %dma_start3A_107 = tpu.memref_slice %arg5[%mul3A_106] : memref<25600xi32, #tpu.memory_space<vmem>> -> memref<128xi32, #tpu.memory_space<vmem>>
        %dma_start3A_108 = arith.constant 0 : i32
        %dma_start3A_109 = arith.constant 0 : i32
        %dma_start3A_110 = tpu.memref_slice %arg3[%dma_start3A_108, %dma_start3A_109] : memref<1000000x32xf32, #tpu.memory_space<hbm>> -> memref<1000000x32xf32, #tpu.memory_space<hbm>>
        tpu.enqueue_indirect_dma source(%dma_start3A_110 : memref<1000000x32xf32, #tpu.memory_space<hbm>>) target(%arg6 : memref<128x32xf32, #tpu.memory_space<vmem>>) offsets(%dma_start3A_107 : memref<128xi32, #tpu.memory_space<vmem>>) semaphore(%arg10 : memref<!tpu.dma_semaphore, #tpu.memory_space<semaphore_mem>>)
      } else {
      }
      %mul3A_59 = arith.constant 128 : i32
      %mul3A_60 = arith.muli %add3A_37, %mul3A_59 : i32
      %add3A_61 = arith.addi %mul3A_2, %mul3A_60 : i32
      %mul3A_62 = arith.constant 32 : i32
      %mul3A_63 = arith.muli %add3A_61, %mul3A_62 : i32
      %dma_start3A_64 = tpu.memref_slice %arg4[%mul3A_63] : memref<26214400xbf16, #tpu.memory_space<hbm>> -> memref<4096xbf16, #tpu.memory_space<hbm>>
      %dma_start3A_65 = tpu.memref_slice %arg4[%mul3A_63] : memref<26214400xbf16, #tpu.memory_space<hbm>> -> memref<4096xbf16, #tpu.memory_space<hbm>>
      tpu.enqueue_dma source(%arg8 : memref<4096xbf16, #tpu.memory_space<vmem>>) target(%dma_start3A_65 : memref<4096xbf16, #tpu.memory_space<hbm>>) target_semaphore(%arg12 : memref<!tpu.dma_semaphore, #tpu.memory_space<semaphore_mem>>)
      %mul3A_66 = arith.constant 2 : i32
      %mul3A_67 = arith.muli %scan3A_32, %mul3A_66 : i32
      %add3A_68 = arith.constant 1 : i32
      %add3A_69 = arith.addi %mul3A_67, %add3A_68 : i32
      %mul3A_70 = arith.constant 128 : i32
      %mul3A_71 = arith.muli %add3A_69, %mul3A_70 : i32
      %dma_wait3A_72 = tpu.memref_slice %arg5[%mul3A_71] : memref<25600xi32, #tpu.memory_space<vmem>> -> memref<128xi32, #tpu.memory_space<vmem>>
      %dma_wait3A_73 = arith.constant 0 : i32
      %dma_wait3A_74 = arith.constant 0 : i32
      %dma_wait3A_75 = tpu.memref_slice %arg3[%dma_wait3A_73, %dma_wait3A_74] : memref<1000000x32xf32, #tpu.memory_space<hbm>> -> memref<1000000x32xf32, #tpu.memory_space<hbm>>
      tpu.wait_indirect_dma semaphore(%arg11 : memref<!tpu.dma_semaphore, #tpu.memory_space<semaphore_mem>>) src(%dma_wait3A_75 : memref<1000000x32xf32, #tpu.memory_space<hbm>>) dst(%arg7 : memref<128x32xf32, #tpu.memory_space<vmem>>)
      %ge3A_76 = arith.constant 2 : i32
      %ge3A_77 = arith.cmpi sge, %add3A_69, %ge3A_76 : i32
      %convert_element_type3A_78 = arith.extui %ge3A_77 : i1 to i32
      %cond3A_79 = arith.constant 0 : i32
      %cond3A_80 = arith.cmpi ne, %convert_element_type3A_78, %cond3A_79 : i32
      scf.if %cond3A_80 {
        %sub3A = arith.constant 2 : i32
        %sub3A_103 = arith.subi %add3A_69, %sub3A : i32
        %mul3A_104 = arith.constant 128 : i32
        %mul3A_105 = arith.muli %sub3A_103, %mul3A_104 : i32
        %add3A_106 = arith.addi %mul3A_2, %mul3A_105 : i32
        %mul3A_107 = arith.constant 32 : i32
        %mul3A_108 = arith.muli %add3A_106, %mul3A_107 : i32
        %dma_wait3A_109 = tpu.memref_slice %arg4[%mul3A_108] : memref<26214400xbf16, #tpu.memory_space<hbm>> -> memref<4096xbf16, #tpu.memory_space<hbm>>
        %dma_wait3A_110 = tpu.memref_slice %arg4[%mul3A_108] : memref<26214400xbf16, #tpu.memory_space<hbm>> -> memref<4096xbf16, #tpu.memory_space<hbm>>
        tpu.wait_dma2 semaphore(%arg13 : memref<!tpu.dma_semaphore, #tpu.memory_space<semaphore_mem>>) src(%arg9 : memref<4096xbf16, #tpu.memory_space<vmem>>) dst(%dma_wait3A_110 : memref<4096xbf16, #tpu.memory_space<hbm>>)
      } else {
      }
      %scan3A_81 = arith.constant 0 : i32
      %scan3A_82 = arith.constant 0 : i32
      %scan3A_83 = arith.constant 32 : i32
      %scan3A_84 = arith.addi %scan3A_82, %scan3A_83 : i32
      %scan3A_85 = arith.constant 1 : i32
      %scan3A_86 = scf.for %scan3A_103 = %scan3A_82 to %scan3A_84 step %scan3A_85 iter_args(%scan3A_104 = %scan3A_81) -> (i32)  : i32 {
        %mul3A_105 = arith.constant 4 : i32
        %mul3A_106 = arith.muli %scan3A_103, %mul3A_105 : i32
        %add3A_107 = arith.constant 0 : i32
        %add3A_108 = arith.addi %mul3A_106, %add3A_107 : i32
        %broadcast_in_dim3A = vector.broadcast %add3A_108 : i32 to vector<16xi32>
        %gather3A = tpu.vector_load_idx %arg7[%broadcast_in_dim3A, %mul3A_5] : memref<128x32xf32, #tpu.memory_space<vmem>>[vector<16xi32>, vector<16xi32>], vector<16xf32>,
        %add3A_109 = arith.constant 1 : i32
        %add3A_110 = vector.broadcast %add3A_109 : i32 to vector<16xi32>
        %add3A_111 = arith.addi %mul3A_5, %add3A_110 : vector<16xi32>
        %gather3A_112 = tpu.vector_load_idx %arg7[%broadcast_in_dim3A, %add3A_111] : memref<128x32xf32, #tpu.memory_space<vmem>>[vector<16xi32>, vector<16xi32>], vector<16xf32>,
        %pack3A = tpu.pack_subelements %gather3A, %gather3A_112 {pack_format = #tpu.pack_format<interleaved>, positions = array<i32: 0, 1>} : vector<16xf32>, vector<16xf32> -> vector<32xbf16>
        %mul3A_113 = arith.constant 32 : i32
        %mul3A_114 = arith.muli %add3A_108, %mul3A_113 : i32
        %swap3A = arith.index_cast %mul3A_114 : i32 to index
        %swap3A_115 = tpu.vector_load %arg9[%swap3A] {strides = array<i32>} : memref<4096xbf16, #tpu.memory_space<vmem>>, vector<32xbf16>,
        tpu.vector_store %arg9[%swap3A], %pack3A {strides = array<i32>} : memref<4096xbf16, #tpu.memory_space<vmem>>, vector<32xbf16>,
        %mul3A_116 = arith.constant 4 : i32
        %mul3A_117 = arith.muli %scan3A_103, %mul3A_116 : i32
        %add3A_118 = arith.constant 1 : i32
        %add3A_119 = arith.addi %mul3A_117, %add3A_118 : i32
        %broadcast_in_dim3A_120 = vector.broadcast %add3A_119 : i32 to vector<16xi32>
        %gather3A_121 = tpu.vector_load_idx %arg7[%broadcast_in_dim3A_120, %mul3A_5] : memref<128x32xf32, #tpu.memory_space<vmem>>[vector<16xi32>, vector<16xi32>], vector<16xf32>,
        %add3A_122 = arith.constant 1 : i32
        %add3A_123 = vector.broadcast %add3A_122 : i32 to vector<16xi32>
        %add3A_124 = arith.addi %mul3A_5, %add3A_123 : vector<16xi32>
        %gather3A_125 = tpu.vector_load_idx %arg7[%broadcast_in_dim3A_120, %add3A_124] : memref<128x32xf32, #tpu.memory_space<vmem>>[vector<16xi32>, vector<16xi32>], vector<16xf32>,
        %pack3A_126 = tpu.pack_subelements %gather3A_121, %gather3A_125 {pack_format = #tpu.pack_format<interleaved>, positions = array<i32: 0, 1>} : vector<16xf32>, vector<16xf32> -> vector<32xbf16>
        %mul3A_127 = arith.constant 32 : i32
        %mul3A_128 = arith.muli %add3A_119, %mul3A_127 : i32
        %swap3A_129 = arith.index_cast %mul3A_128 : i32 to index
        %swap3A_130 = tpu.vector_load %arg9[%swap3A_129] {strides = array<i32>} : memref<4096xbf16, #tpu.memory_space<vmem>>, vector<32xbf16>,
        tpu.vector_store %arg9[%swap3A_129], %pack3A_126 {strides = array<i32>} : memref<4096xbf16, #tpu.memory_space<vmem>>, vector<32xbf16>,
        %mul3A_131 = arith.constant 4 : i32
        %mul3A_132 = arith.muli %scan3A_103, %mul3A_131 : i32
        %add3A_133 = arith.constant 2 : i32
        %add3A_134 = arith.addi %mul3A_132, %add3A_133 : i32
        %broadcast_in_dim3A_135 = vector.broadcast %add3A_134 : i32 to vector<16xi32>
        %gather3A_136 = tpu.vector_load_idx %arg7[%broadcast_in_dim3A_135, %mul3A_5] : memref<128x32xf32, #tpu.memory_space<vmem>>[vector<16xi32>, vector<16xi32>], vector<16xf32>,
        %add3A_137 = arith.constant 1 : i32
        %add3A_138 = vector.broadcast %add3A_137 : i32 to vector<16xi32>
        %add3A_139 = arith.addi %mul3A_5, %add3A_138 : vector<16xi32>
        %gather3A_140 = tpu.vector_load_idx %arg7[%broadcast_in_dim3A_135, %add3A_139] : memref<128x32xf32, #tpu.memory_space<vmem>>[vector<16xi32>, vector<16xi32>], vector<16xf32>,
        %pack3A_141 = tpu.pack_subelements %gather3A_136, %gather3A_140 {pack_format = #tpu.pack_format<interleaved>, positions = array<i32: 0, 1>} : vector<16xf32>, vector<16xf32> -> vector<32xbf16>
        %mul3A_142 = arith.constant 32 : i32
        %mul3A_143 = arith.muli %add3A_134, %mul3A_142 : i32
        %swap3A_144 = arith.index_cast %mul3A_143 : i32 to index
        %swap3A_145 = tpu.vector_load %arg9[%swap3A_144] {strides = array<i32>} : memref<4096xbf16, #tpu.memory_space<vmem>>, vector<32xbf16>,
        tpu.vector_store %arg9[%swap3A_144], %pack3A_141 {strides = array<i32>} : memref<4096xbf16, #tpu.memory_space<vmem>>, vector<32xbf16>,
        %mul3A_146 = arith.constant 4 : i32
        %mul3A_147 = arith.muli %scan3A_103, %mul3A_146 : i32
        %add3A_148 = arith.constant 3 : i32
        %add3A_149 = arith.addi %mul3A_147, %add3A_148 : i32
        %broadcast_in_dim3A_150 = vector.broadcast %add3A_149 : i32 to vector<16xi32>
        %gather3A_151 = tpu.vector_load_idx %arg7[%broadcast_in_dim3A_150, %mul3A_5] : memref<128x32xf32, #tpu.memory_space<vmem>>[vector<16xi32>, vector<16xi32>], vector<16xf32>,
        %add3A_152 = arith.constant 1 : i32
        %add3A_153 = vector.broadcast %add3A_152 : i32 to vector<16xi32>
        %add3A_154 = arith.addi %mul3A_5, %add3A_153 : vector<16xi32>
        %gather3A_155 = tpu.vector_load_idx %arg7[%broadcast_in_dim3A_150, %add3A_154] : memref<128x32xf32, #tpu.memory_space<vmem>>[vector<16xi32>, vector<16xi32>], vector<16xf32>,
        %pack3A_156 = tpu.pack_subelements %gather3A_151, %gather3A_155 {pack_format = #tpu.pack_format<interleaved>, positions = array<i32: 0, 1>} : vector<16xf32>, vector<16xf32> -> vector<32xbf16>
        %mul3A_157 = arith.constant 32 : i32
        %mul3A_158 = arith.muli %add3A_149, %mul3A_157 : i32
        %swap3A_159 = arith.index_cast %mul3A_158 : i32 to index
        %swap3A_160 = tpu.vector_load %arg9[%swap3A_159] {strides = array<i32>} : memref<4096xbf16, #tpu.memory_space<vmem>>, vector<32xbf16>,
        tpu.vector_store %arg9[%swap3A_159], %pack3A_156 {strides = array<i32>} : memref<4096xbf16, #tpu.memory_space<vmem>>, vector<32xbf16>,
        %scan3A_161 = arith.constant 0 : i32
        scf.yield %scan3A_161 : i32
      }
      %scan3A_87 = arith.constant 32 : i32
      %add3A_88 = arith.constant 2 : i32
      %add3A_89 = arith.addi %add3A_69, %add3A_88 : i32
      %lt3A_90 = arith.constant 200 : i32
      %lt3A_91 = arith.cmpi slt, %add3A_89, %lt3A_90 : i32
      %convert_element_type3A_92 = arith.extui %lt3A_91 : i1 to i32
      %cond3A_93 = arith.constant 0 : i32
      %cond3A_94 = arith.cmpi ne, %convert_element_type3A_92, %cond3A_93 : i32
      scf.if %cond3A_94 {
        %add3A_103 = arith.constant 2 : i32
        %add3A_104 = arith.addi %add3A_69, %add3A_103 : i32
        %mul3A_105 = arith.constant 128 : i32
        %mul3A_106 = arith.muli %add3A_104, %mul3A_105 : i32
        %dma_start3A_107 = tpu.memref_slice %arg5[%mul3A_106] : memref<25600xi32, #tpu.memory_space<vmem>> -> memref<128xi32, #tpu.memory_space<vmem>>
        %dma_start3A_108 = arith.constant 0 : i32
        %dma_start3A_109 = arith.constant 0 : i32
        %dma_start3A_110 = tpu.memref_slice %arg3[%dma_start3A_108, %dma_start3A_109] : memref<1000000x32xf32, #tpu.memory_space<hbm>> -> memref<1000000x32xf32, #tpu.memory_space<hbm>>
        tpu.enqueue_indirect_dma source(%dma_start3A_110 : memref<1000000x32xf32, #tpu.memory_space<hbm>>) target(%arg7 : memref<128x32xf32, #tpu.memory_space<vmem>>) offsets(%dma_start3A_107 : memref<128xi32, #tpu.memory_space<vmem>>) semaphore(%arg11 : memref<!tpu.dma_semaphore, #tpu.memory_space<semaphore_mem>>)
      } else {
      }
      %mul3A_95 = arith.constant 128 : i32
      %mul3A_96 = arith.muli %add3A_69, %mul3A_95 : i32
      %add3A_97 = arith.addi %mul3A_2, %mul3A_96 : i32
      %mul3A_98 = arith.constant 32 : i32
      %mul3A_99 = arith.muli %add3A_97, %mul3A_98 : i32
      %dma_start3A_100 = tpu.memref_slice %arg4[%mul3A_99] : memref<26214400xbf16, #tpu.memory_space<hbm>> -> memref<4096xbf16, #tpu.memory_space<hbm>>
      %dma_start3A_101 = tpu.memref_slice %arg4[%mul3A_99] : memref<26214400xbf16, #tpu.memory_space<hbm>> -> memref<4096xbf16, #tpu.memory_space<hbm>>
      tpu.enqueue_dma source(%arg9 : memref<4096xbf16, #tpu.memory_space<vmem>>) target(%dma_start3A_101 : memref<4096xbf16, #tpu.memory_space<hbm>>) target_semaphore(%arg13 : memref<!tpu.dma_semaphore, #tpu.memory_space<semaphore_mem>>)
      %scan3A_102 = arith.constant 0 : i32
      scf.yield %scan3A_102 : i32
    }
    %scan3A_20 = arith.constant 100 : i32
    %add3A_21 = arith.constant 25344 : i32
    %add3A_22 = arith.addi %mul3A_2, %add3A_21 : i32
    %mul3A_23 = arith.constant 32 : i32
    %mul3A_24 = arith.muli %add3A_22, %mul3A_23 : i32
    %dma_wait3A = tpu.memref_slice %arg4[%mul3A_24] : memref<26214400xbf16, #tpu.memory_space<hbm>> -> memref<4096xbf16, #tpu.memory_space<hbm>>
    %dma_wait3A_25 = tpu.memref_slice %arg4[%mul3A_24] : memref<26214400xbf16, #tpu.memory_space<hbm>> -> memref<4096xbf16, #tpu.memory_space<hbm>>
    tpu.wait_dma2 semaphore(%arg12 : memref<!tpu.dma_semaphore, #tpu.memory_space<semaphore_mem>>) src(%arg8 : memref<4096xbf16, #tpu.memory_space<vmem>>) dst(%dma_wait3A_25 : memref<4096xbf16, #tpu.memory_space<hbm>>)
    %add3A_26 = arith.constant 25472 : i32
    %add3A_27 = arith.addi %mul3A_2, %add3A_26 : i32
    %mul3A_28 = arith.constant 32 : i32
    %mul3A_29 = arith.muli %add3A_27, %mul3A_28 : i32
    %dma_wait3A_30 = tpu.memref_slice %arg4[%mul3A_29] : memref<26214400xbf16, #tpu.memory_space<hbm>> -> memref<4096xbf16, #tpu.memory_space<hbm>>
    %dma_wait3A_31 = tpu.memref_slice %arg4[%mul3A_29] : memref<26214400xbf16, #tpu.memory_space<hbm>> -> memref<4096xbf16, #tpu.memory_space<hbm>>
    tpu.wait_dma2 semaphore(%arg13 : memref<!tpu.dma_semaphore, #tpu.memory_space<semaphore_mem>>) src(%arg9 : memref<4096xbf16, #tpu.memory_space<vmem>>) dst(%dma_wait3A_31 : memref<4096xbf16, #tpu.memory_space<hbm>>)
    return
  }
}

</mosaic_0001>

<sc_bundles>
// kernel: _embed.3.cloned.1.call-start
scs
__scs_entry_jumppad:
0x0: {  	(pc) =	sbr.rel $0x88, $3  }
0x1: {  	(tag) =	ssettag $0x0;
	lr =	simm.s32 $0x1  }
0x2: {  	[smem:$0x3F9F] =	sst lr;
	_ =	strace $0xD0000000  }
0x3: {  	_ = 	snop  }
0x4: {  	_ = 	snop  }
0x5: {  	_ = 	snop  }
0x6: {  	_ = 	snop  }
0x7: {  	_ = 	snop  }
__scs_overlays_trampoline_lowered:
0x8: {  	[smem:$0x3FAE] =	sst s0  }
0x9: {  	[smem:$0x3FAF] =	sst s1  }
0xa: {  	[smem:$0x3FB0] =	sst s2  }
0xb: {  	[smem:$0x3FB1] =	sst s3  }
0xc: {  	[smem:$0x3FB2] =	sst s4  }
0xd: {  	[smem:$0x3FB3] =	sst s5  }
0xe: {  	[smem:$0x3FB4] =	sst s6  }
0xf: {  	[smem:$0x3FB5] =	sst s7  }
0x10: {  	[smem:$0x3FB6] =	sst s8  }
0x11: {  	[smem:$0x3FB7] =	sst s9;
	s0 =	simm.s32 @!p0 $0x0  }
0x12: {  	s1 =	sld [smem:$0x3F9D];
	s0 =	simm.s32 @p0 $0x1  }
0x13: {  	[smem:$0x3FB8] =	sst s0;
	s0 =	simm.s32 @!p1 $0x0  }
0x14: {  	s2 =	sld [smem:$0x3F9C];
	s0 =	simm.s32 @p1 $0x1  }
0x15: {  	[smem:$0x3FB9] =	sst s0;
	s0 =	simm.s32 @!p2 $0x0  }
0x16: {  	s3 =	sld [smem:$0x3FDB];
	s0 =	simm.s32 @p2 $0x1  }
0x17: {  	s4 =	simm.s32 $0x1BF5;
	[smem:$0x3FBB] =	sst s0  }
0x18: {  	s0 =	sld [smem:$0x3F9E];
	_ =	swait.ge [sflag:s4], $0x0  }
0x19: {  	s7 =	sld [smem:$0x3F9F]  }
0x1a: {  	s8 =	sadd.s32 $0xFFFFE003, lr  }
0x1b: {  	s9 =	sadd.s32 $0xFFFFFEF7, lr;
	s5 =	simm.s32 $0xFFFFFFFF;
	p2 =	slt.u32 s8, $0xFFFFF086  }
0x1c: {  	p1 =	slt.u32 s9, $0xF7A;
	s5 =	simm.s32 @!p2 $0x0  }
0x1d: {  	s5 =	simm.s32 @p1 $0x1;
	p0 =	seq.s32 s7, s2  }
0x1e: {  	s7 =	smul.u32 @!p0 $0xF7A, s2;
	p2 =	seq.s32 @!p0 s5, $0x0  }
0x1f: {  	s9 =	smul.u32 $0xF7A, s1;
	s8 =	simm.s32 @!p0 $0x1BF5;
	p2 =	por !p2, p0  }
0x20: {  	[sflag:s8] =	ssyncset.s32 @!p0 $0xFFFFF086;
	s6 =	sadd.s32 @!p0 s3, s7;
	s7 =	simm.s32 @!p0 $0x108  }
0x21: {  	s3 =	sadd.s32 s3, s9;
	s6 =	sadd.s32 @!p0 $0x88, s6;
	s7 =	simm.s32 @p2 $0x1082  }
0x22: {  	[simem:s7], [sflag:s8] =	dma.local @!p0 [hbm:s6], $0xF7A  }
0x23: {  	s9 =	sor.u32 $0xD0000000, s2;
	s6 =	simm.s32 $0x108;
	_ =	swait.ge @!p0 [sflag:s8], $0x0  }
0x24: {  	s3 =	sadd.s32 $0x88, s3;
	s6 =	simm.s32 @!p1 $0x1082;
	[sflag:s4] =	ssyncset.s32 $0xFFFFF086  }
0x25: {  	[simem:s6], [sflag:s4] =	dma.local [hbm:s3], $0xF7A  }
0x26: {  	[smem:$0x3F9F] =	sst s1;
	(tag) =	ssettag s2;
	_ =	strace s9  }
0x27: {  	s1 =	sld [smem:$0x3FAF]  }
0x28: {  	s2 =	sld [smem:$0x3FB0]  }
0x29: {  	s4 =	sld [smem:$0x3FB2]  }
0x2a: {  	p0 =	seq.s32 s5, $0x0;
	s5 =	sld [smem:$0x3FB3]  }
0x2b: {  	s6 =	sld [smem:$0x3FB4]  }
0x2c: {  	s7 =	sld [smem:$0x3FB5]  }
0x2d: {  	s3 =	simm.s32 $0x108;
	s8 =	sld [smem:$0x3FB6]  }
0x2e: {  	s3 =	simm.s32 @!p0 $0x1082;
	s9 =	sld [smem:$0x3FB7]  }
0x2f: {  	lr =	sadd.s32 s0, s3;
	s0 =	sld [smem:$0x3FAE]  }
0x30: {  	s3 =	sld [smem:$0x3FB1]  }
0x31: {  	[smem:$0x3FBA] =	sst s10  }
0x32: {  	s10 =	sld [smem:$0x3FB8];
	_ =	sdelay $0x3  }
0x33: {  	p0 =	seq.s32 s10, $0x1;
	s10 =	sld [smem:$0x3FBA];
	_ =	sdelay $0x3  }
0x34: {  	[smem:$0x3FBA] =	sst s10  }
0x35: {  	s10 =	sld [smem:$0x3FB9];
	_ =	sdelay $0x3  }
0x36: {  	p1 =	seq.s32 s10, $0x1;
	s10 =	sld [smem:$0x3FBA];
	_ =	sdelay $0x3  }
0x37: {  	[smem:$0x3FBA] =	sst s10  }
0x38: {  	s10 =	sld [smem:$0x3FBB]  }
0x39: {  	_ = 	snop;
	(pc) =	sbr.ind lr, $3  }
0x3a: {  	_ = 	snop  }
0x3b: {  	_ = 	snop  }
0x3c: {  	p2 =	seq.s32 s10, $0x1;
	s10 =	sld [smem:$0x3FBA]  }
0x3d: {  	_ =	shalt  }
0x3e: {  	_ =	shalt  }
0x3f: {  	_ =	shalt  }
0x40: {  	_ =	shalt  }
0x41: {  	_ =	shalt  }
0x42: {  	_ =	shalt  }
0x43: {  	_ =	shalt  }
0x44: {  	_ =	shalt  }
0x45: {  	_ =	shalt  }
0x46: {  	_ =	shalt  }
0x47: {  	_ =	shalt  }
0x48: {  	_ =	shalt  }
0x49: {  	_ =	shalt  }
0x4a: {  	_ =	shalt  }
0x4b: {  	_ =	shalt  }
0x4c: {  	_ =	shalt  }
0x4d: {  	_ =	shalt  }
0x4e: {  	_ =	shalt  }
0x4f: {  	_ =	shalt  }
0x50: {  	_ =	shalt  }
0x51: {  	_ =	shalt  }
0x52: {  	_ =	shalt  }
0x53: {  	_ =	shalt  }
0x54: {  	_ =	shalt  }
0x55: {  	_ =	shalt  }
0x56: {  	_ =	shalt  }
0x57: {  	_ =	shalt  }
0x58: {  	_ =	shalt  }
0x59: {  	_ =	shalt  }
0x5a: {  	_ =	shalt  }
0x5b: {  	_ =	shalt  }
0x5c: {  	_ =	shalt  }
0x5d: {  	_ =	shalt  }
0x5e: {  	_ =	shalt  }
0x5f: {  	_ =	shalt  }
0x60: {  	_ =	shalt  }
0x61: {  	_ =	shalt  }
0x62: {  	_ =	shalt  }
0x63: {  	_ =	shalt  }
0x64: {  	_ =	shalt  }
0x65: {  	_ =	shalt  }
0x66: {  	_ =	shalt  }
0x67: {  	_ =	shalt  }
0x68: {  	_ =	shalt  }
0x69: {  	_ =	shalt  }
0x6a: {  	_ =	shalt  }
0x6b: {  	_ =	shalt  }
0x6c: {  	_ =	shalt  }
0x6d: {  	_ =	shalt  }
0x6e: {  	_ =	shalt  }
0x6f: {  	_ =	shalt  }
0x70: {  	_ =	shalt  }
0x71: {  	_ =	shalt  }
0x72: {  	_ =	shalt  }
0x73: {  	_ =	shalt  }
0x74: {  	_ =	shalt  }
0x75: {  	_ =	shalt  }
0x76: {  	_ =	shalt  }
0x77: {  	_ =	shalt  }
0x78: {  	_ =	shalt  }
0x79: {  	_ =	shalt  }
0x7a: {  	_ =	shalt  }
0x7b: {  	_ =	shalt  }
0x7c: {  	_ =	shalt  }
0x7d: {  	_ =	shalt  }
0x7e: {  	_ =	shalt  }
0x7f: {  	_ =	shalt  }
0x80: {  	_ =	shalt  }
0x81: {  	_ =	shalt  }
0x82: {  	_ =	shalt  }
0x83: {  	_ =	shalt  }
0x84: {  	_ =	shalt  }
0x85: {  	_ =	shalt  }
0x86: {  	_ =	shalt  }
0x87: {  	_ =	shalt  }
.Lfunc_end0:
.L_simem_size_0:
called_computation.1_lowered:
.L_overlay_start_0:
0x88: {  	s2 =	sld [smem:$0x3FD9]  }
0x89: {  	s3 =	sld [smem:$0x3FFE];
	_ =	sdelay $0x1  }
0x8a: {  	s1 =	srdreg.scid  }
0x8b: {  	s0 =	sand.u32 $0x1, s1  }
0x8c: {  	s17 =	sshll.u32 s0, $0xA;
	s2 =	sadd.s32 s3, s2  }
0x8d: {  	s2 =	sadd.s32 s2, s17  }
0x8e: {  	[smem:$0x3FC6] =	sst s2  }
0x8f: {  	_ = 	snop  }
0x90: {  	s2 =	sld [smem:$0x3FC9];
	(tm) =	ssettm $0x1  }
0x91: {  	s18 =	sld [smem:$0x3FFB];
	_ =	sdelay $0x3  }
0x92: {  	_ =	strace s18  }
0x93: {  	s3 =	sld [smem:$0x3FFC];
	_ =	sdelay $0x3  }
0x94: {  	_ =	strace s3  }
0x95: {  	s3 =	sld [smem:$0x3FFD];
	_ =	sdelay $0x3  }
0x96: {  	_ =	strace s3  }
0x97: {  	_ =	strace $0x8FFFFFFF  }
0x98: {  	s19 =	sld [smem:$0x3FDB];
	_ =	sdelay $0x1  }
0x99: {  	s4 =	simm.s32 $_scs_section_size  }
0x9a: {  	s5 =	simm.s32 $_size__tile_overlayer_lowered;
	s6 =	simm.s32 $_tile_overlayer_lowered  }
0x9b: {  	s22 =	simm.s32 $0x1BFF;
	s21 =	sshll.u32 s6, $0x1;
	s3 =	sadd.s32 s4, s19  }
0x9c: {  	s7 =	simm.s32 $0x0;
	s20 =	sshll.u32 s5, $0x1;
	s5 =	sadd.s32 s21, s3  }
0x9d: {  	[timem:s7], [sflag:s22] =	dma.local [hbm:s5], s20  }
0x9e: {  	_ =	swait.ge [sflag:s22], s20  }
0x9f: {  	s4 =	ssub.s32 $0x0, s20;
	[sflag:s22] =	ssyncset.done $0x0  }
0xa0: {  	[sflag:s22] =	ssyncadd.s32 s4;
	_ =	sdelay $0x1  }
0xa1: {  	s23 =	simm.s32 $0x1B8B  }
0xa2: {  	_ =	swait.ge [sflag:s23], $0x1  }
0xa3: {  	[sflag:s23] =	ssyncset.done $0x0  }
0xa4: {  	s25 =	simm.s32 $0x1B8E;
	s24 =	sld [smem:$0x3FFE];
	[sflag:s23] =	ssyncadd.s32 $0xFFFFFFFF  }
0xa5: {  	s26 =	simm.s32 $execute0_lowered;
	[smem:$0x3FD2] =	sst s25  }
0xa6: {  	s5 =	sshll.u32 s26, $0x1;
	_ =	strace $0x80000046;
	[dreg:$0x1] =	wrdreg $0xFFFFFFFF  }
0xa7: {  	s28 =	simm.s32 $_size_execute0_lowered;
	s3 =	sadd.s32 s3, s5;
	[dreg:$0x0] =	wrdreg $0x0  }
0xa8: {  	s5 =	sshll.u32 s28, $0x1;
	[dreg:$0x2] =	wrdreg s3  }
0xa9: {  	[dreg:$0x3] =	wrdreg s5  }
0xaa: {  	[dreg:$0x4] =	wrdreg $0xC0  }
0xab: {  	_ =	task [dreg:s7], $0x5FFFF  }
0xac: {  	[dreg:$0x1] =	wrdreg $0xFFFFFFFF  }
0xad: {  	[dreg:$0x0] =	wrdreg $0x60  }
0xae: {  	[dreg:$0x2] =	wrdreg s2  }
0xaf: {  	[dreg:$0x3] =	wrdreg s24  }
0xb0: {  	[dreg:$0x4] =	wrdreg $0x9  }
0xb1: {  	_ =	task.clear_ibuf [dreg:s7], $0x5FFFF;
	_ =	strace $0x90000046  }
0xb2: {  	s29 =	simm.s32 $0x9;
	_ =	strace $0x80000048  }
0xb3: {  	_ =	swait.ge [sflag:s29], $0x1  }
0xb4: {  	[sflag:s29] =	ssyncadd.s32 $0xFFFFFFFF  }
0xb5: {  	_ =	strace $0x90000048  }
0xb6: {  	_ =	sfence  }
0xb7: {  	s30 =	sld [smem:$0x0];
	_ =	sdelay $0x2  }
0xb8: {  	s31 =	sshll.u32 s1, $0xD;
	s1 =	sshrl.u32 s1, $0x2  }
0xb9: {  	s3 =	sand.u32 $0x4000, s31;
	s1 =	sadd.s32 s1, s30  }
0xba: {  	s0 =	sor.u32 s3, s0;
	s1 =	sshll.u32 s1, $0x11  }
0xbb: {  	s0 =	sor.u32 s1, s0  }
0xbc: {  	s0 =	sadd.s32 $0x8F2B, s0  }
0xbd: {  	[sflag:s0] =	ssyncadd.remote.s32 $0x1  }
0xbe: {  	_ =	sfence.sel $0xFFFF  }
0xbf: {  	[dreg:$0x0] =	wrdreg $0xFFFFFFFF;
	(pc) =	sbr.abs _section_cstart, $3  }
0xc0: {  	[dreg:$0x1] =	wrdreg $0xFFFFFFFF  }
0xc1: {  	_ =	task.clear_ibuf [dreg:s7], $0x2FFFF;
	_ =	strace $0x9FFFFFFF  }
0xc2: {  	(tm) =	ssettm $0x7FFFFFFF  }
0xc3: {  	_ =	shalt  }
tec
execute0_lowered:
.L_overlay_start_1:
0x0: {  	(tag) =	ssettag $0x1  }
0x1: {  	s5 =	rddreg [dreg:$0x0]  }
0x2: {  	s4 =	rddreg [dreg:$0x1]  }
0x3: {  	s0 =	rddreg [dreg:$0x2];
	s3 =	srdreg.scid  }
0x4: {  	s1 =	stileid.u32;
	s2 =	simm.s32 $0x0;
	s11 =	simm.s32 $0x6400  }
0x5: {  	s12 =	simm.s32 $0x7400;
	s13 =	simm.s32 $0x1;
	s14 =	simm.s32 $0x8400  }
0x6: {  	s15 =	simm.s32 $0x2;
	s16 =	simm.s32 $0x8C00;
	s17 =	simm.s32 $0x3  }
0x7: {  	s18 =	simm.s32 $0x4;
	s3 =	sand.u32 $0x1, s3;
	s6 =	sshll.u32 s1, $0x1  }
0x8: {  	s19 =	simm.s32 $0x0;
	[smem:$0x7FF] =	sst s2;
	s6 =	sor.u32 s3, s6  }
0x9: {  	_ =	strace $0x80000047;
	s7 =	ssub.s32 $0x2, s3;
	s8 =	smul.u32 $0xC80, s6  }
0xa: {  	v0 =	vlaneseq.u32;
	s3 =	sadd.s32 $0xF42C00, s4;
	s9 =	sshrl.u32 s7, $0x1;
	s10 =	smul.u32 $0xC800, s6  }
0xb: {  	v0 =	vmul.u32 $0x2, v0;
	s4 =	sadd.s32 $0x800, s4;
	s6 =	smul.u32 $0xC8000, s6;
	s7 =	ssub.s32 s7, s9  }
0xc: {  	s9 =	simm.s32 $0x5;
	s5 =	sadd.s32 s5, s8;
	s31 =	sadd.s32 s10, s4  }
0xd: {  	v1 =	vor.u32 $0x1, v0;
	s7 =	smax.u32 s7, $0x1;
	s10 =	simm.s32 $0x80;
	s8 =	sadd.s32 $0x100, s31  }
.LBB2_1:
0xe: {  	[tilespmem:s2], [sflag:$0x5] =	stream.linear.gather [hbm4b:s5+s2], $0x6400, $0x38;
	[tilespmem:$0x9400] =	vst v63  }
0xf: {  	_ =	swait.ge [sflag:s9], $0x6400  }
0x10: {  	[sflag:s9] =	ssyncset.done $0x0  }
0x11: {  	[sflag:s9] =	ssyncadd.s32 $0xFFFF9C00  }
0x12: {  	[tilespmem:s11], [sflag:$0x1] =	stream.indirect.gather [hbm4b:s3+s10], $0x20, s2, s10, $0xb8;
	[tilespmem:$0x9400] =	vst v63  }
0x13: {  	s20 =	simm.s32 $0x0  }
0x14: {  	[tilespmem:s12], [sflag:$0x2] =	stream.indirect.gather [hbm4b:s3+s10], $0x20, s10, s10, $0xb8;
	[tilespmem:$0x9400] =	vst v63  }
.LBB2_2:
0x15: {  	_ =	swait.ge [sflag:s13], $0x1000;
	s21 =	simm.s32 $0x0  }
0x16: {  	p0 =	seq.s32 s20, $0x0;
	[sflag:s13] =	ssyncset.done $0x0;
	v2 =	vor.u32 s21, v0  }
0x17: {  	s22 =	simm.s32 @!p0 $0x3;
	v3 =	vor.u32 s21, v1;
	[sflag:s13] =	ssyncadd.s32 $0xFFFFF000  }
0x18: {  	_ =	swait.ge @!p0 [sflag:s22], $0x800  }
0x19: {  	[sflag:s22] =	ssyncset.done @!p0 $0x0  }
0x1a: {  	[sflag:s22] =	ssyncadd.s32 @!p0 $0xFFFFF800  }
0x1b: {  	v2 =	vld.idx.msk [tilespmem:v2+s11+$0x0], $0xffff  }
0x1c: {  	v3 =	vld.idx.msk [tilespmem:v3+s11+$0x0], $0xffff  }
0x1d: {  	s29 =	simm.s32 $0x20  }
0x1e: {  	v4 =	vor.u32 s29, v0  }
0x1f: {  	v5 =	vor.u32 s29, v1;
	_ =	sdelay $0x1  }
0x20: {  	s22 =	simm.s32 $0x8420;
	v2 =	vpack.i.f32.bf16 v3, v2  }
0x21: {  	[tilespmem:s22+$0xFFFFFFE0] =	vst v2  }
0x22: {  	v2 =	vld.idx.msk [tilespmem:v4+s11+$0x0], $0xffff  }
0x23: {  	v3 =	vld.idx.msk [tilespmem:v5+s11+$0x0], $0xffff  }
0x24: {  	s30 =	simm.s32 $0x40  }
0x25: {  	v4 =	vor.u32 s30, v0  }
0x26: {  	v5 =	vor.u32 s30, v1;
	_ =	sdelay $0x1  }
0x27: {  	v2 =	vpack.i.f32.bf16 v3, v2  }
0x28: {  	[tilespmem:s22+$0xFFFFFFF0] =	vst v2  }
0x29: {  	v2 =	vld.idx.msk [tilespmem:v4+s11+$0x0], $0xffff  }
0x2a: {  	v3 =	vld.idx.msk [tilespmem:v5+s11+$0x0], $0xffff  }
0x2b: {  	s31 =	simm.s32 $0x60  }
0x2c: {  	v4 =	vor.u32 s31, v0  }
0x2d: {  	v5 =	vor.u32 s31, v1;
	_ =	sdelay $0x1  }
0x2e: {  	v2 =	vpack.i.f32.bf16 v3, v2  }
0x2f: {  	[tilespmem:s22+$0x0] =	vst v2  }
0x30: {  	s25 =	simm.s32 $0x8;
	v2 =	vld.idx.msk [tilespmem:v4+s11+$0x0], $0xffff  }
0x31: {  	s23 =	simm.s32 $0x80;
	s24 =	simm.s32 $0x8420;
	s21 =	sshll.u32 s20, $0xA;
	v3 =	vld.idx.msk [tilespmem:v5+s11+$0x0], $0xffff  }
.LBB2_3:
0x32: {  	p1 =	sne.s32 s25, $0x7C  }
0x33: {  	v4 =	vor.u32 s23, v0;
	v5 =	vor.u32 s23, v1;
	s22 =	sadd.s32 $0x40, s22;
	s26 =	smov.u32 s25;
	s25 =	sadd.s32 $0x4, s25  }
0x34: {  	_ =	sdelay $0x1  }
0x35: {  	v2 =	vpack.i.f32.bf16 v3, v2  }
0x36: {  	[tilespmem:s24+$0x10] =	vst v2;
	s24 =	smov.u32 s22  }
0x37: {  	v2 =	vld.idx.msk [tilespmem:v4+s11+$0x0], $0xffff  }
0x38: {  	v3 =	vld.idx.msk [tilespmem:v5+s11+$0x0], $0xffff;
	_ =	sdelay $0x1  }
0x39: {  	s28 =	sadd.s32 $0x20, s23  }
0x3a: {  	v4 =	vor.u32 s28, v0;
	v5 =	vor.u32 s28, v1;
	_ =	sdelay $0x2  }
0x3b: {  	v2 =	vpack.i.f32.bf16 v3, v2  }
0x3c: {  	[tilespmem:s22+$0xFFFFFFE0] =	vst v2  }
0x3d: {  	v2 =	vld.idx.msk [tilespmem:v4+s11+$0x0], $0xffff  }
0x3e: {  	v3 =	vld.idx.msk [tilespmem:v5+s11+$0x0], $0xffff;
	_ =	sdelay $0x1  }
0x3f: {  	s28 =	sadd.s32 $0x40, s23  }
0x40: {  	v4 =	vor.u32 s28, v0;
	v5 =	vor.u32 s28, v1;
	_ =	sdelay $0x2  }
0x41: {  	v2 =	vpack.i.f32.bf16 v3, v2  }
0x42: {  	[tilespmem:s22+$0xFFFFFFF0] =	vst v2  }
0x43: {  	v2 =	vld.idx.msk [tilespmem:v4+s11+$0x0], $0xffff  }
0x44: {  	v3 =	vld.idx.msk [tilespmem:v5+s11+$0x0], $0xffff;
	_ =	sdelay $0x1  }
0x45: {  	s23 =	sadd.s32 $0x60, s23  }
0x46: {  	v4 =	vor.u32 s23, v0;
	v5 =	vor.u32 s23, v1;
	_ =	sdelay $0x2  }
0x47: {  	v2 =	vpack.i.f32.bf16 v3, v2  }
.Ltmp0:
0x48: {  	[tilespmem:s22+$0x0] =	vst v2;
	(pc) =	sbr.rel @p1 .LBB2_3-.Ltmp0, $3  }
0x49: {  	v2 =	vld.idx.msk [tilespmem:v4+s11+$0x0], $0xffff  }
0x4a: {  	v3 =	vld.idx.msk [tilespmem:v5+s11+$0x0], $0xffff;
	_ =	sdelay $0x1  }
0x4b: {  	s23 =	sshll.u32 s26, $0x5  }
0x4c: {  	v4 =	vor.u32 s23, v0  }
0x4d: {  	v5 =	vor.u32 s23, v1;
	_ =	sdelay $0x1  }
0x4e: {  	v2 =	vpack.i.f32.bf16 v3, v2  }
0x4f: {  	[tilespmem:s24+$0x10] =	vst v2  }
0x50: {  	v2 =	vld.idx.msk [tilespmem:v4+s11+$0x0], $0xffff  }
0x51: {  	v3 =	vld.idx.msk [tilespmem:v5+s11+$0x0], $0xffff  }
0x52: {  	s30 =	sadd.s32 $0x20, s23  }
0x53: {  	v4 =	vor.u32 s30, v0  }
0x54: {  	v5 =	vor.u32 s30, v1;
	_ =	sdelay $0x1  }
0x55: {  	s22 =	sadd.s32 $0x40, s22;
	v2 =	vpack.i.f32.bf16 v3, v2  }
0x56: {  	[tilespmem:s22+$0xFFFFFFE0] =	vst v2  }
0x57: {  	v2 =	vld.idx.msk [tilespmem:v4+s11+$0x0], $0xffff  }
0x58: {  	v3 =	vld.idx.msk [tilespmem:v5+s11+$0x0], $0xffff  }
0x59: {  	s31 =	sadd.s32 $0x40, s23  }
0x5a: {  	v4 =	vor.u32 s31, v0  }
0x5b: {  	v5 =	vor.u32 s31, v1;
	_ =	sdelay $0x1  }
0x5c: {  	v2 =	vpack.i.f32.bf16 v3, v2  }
0x5d: {  	[tilespmem:s22+$0xFFFFFFF0] =	vst v2  }
0x5e: {  	v2 =	vld.idx.msk [tilespmem:v4+s11+$0x0], $0xffff  }
0x5f: {  	v3 =	vld.idx.msk [tilespmem:v5+s11+$0x0], $0xffff  }
0x60: {  	s25 =	sadd.s32 $0x60, s23  }
0x61: {  	v4 =	vor.u32 s25, v0  }
0x62: {  	v5 =	vor.u32 s25, v1;
	_ =	sdelay $0x1  }
0x63: {  	v2 =	vpack.i.f32.bf16 v3, v2  }
0x64: {  	[tilespmem:s22+$0x0] =	vst v2  }
0x65: {  	v2 =	vld.idx.msk [tilespmem:v4+s11+$0x0], $0xffff  }
0x66: {  	v3 =	vld.idx.msk [tilespmem:v5+s11+$0x0], $0xffff;
	_ =	sdelay $0x3  }
0x67: {  	p1 =	seq.s32 s20, $0x63  }
0x68: {  	s26 =	sshll.u32 s20, $0xD;
	s21 =	sshrl.u32 @!p1 s21, $0x2;
	v2 =	vpack.i.f32.bf16 v3, v2  }
0x69: {  	s23 =	simm.s32 @!p1 $0x80;
	s24 =	simm.s32 @!p1 $0x6400;
	[tilespmem:s22+$0x10] =	vst v2;
	s22 =	sadd.s32 @!p1 $0x100, s21  }
0x6a: {  	[tilespmem:s24], [sflag:$0x1] =	stream.indirect.gather @!p1 [hbm4b:s3+s23], $0x20, s22, s23, $0xb8;
	[tilespmem:$0x9400] =	vst v63  }
0x6b: {  	s22 =	sadd.s32 s6, s26  }
0x6c: {  	s22 =	sshrl.u32 s22, $0x4  }
0x6d: {  	s22 =	sadd.s32 s4, s22  }
0x6e: {  	[hbm4b:s22+s2] =	stream.linear.scatter [tilespmem:s14], [sflag:$0x3], $0x800, $0x38;
	[tilespmem:$0x9400] =	vst v63  }
0x6f: {  	s28 =	simm.s32 $0x0;
	_ =	swait.ge [sflag:s15], $0x1000  }
0x70: {  	v2 =	vor.u32 s28, v0;
	[sflag:s15] =	ssyncset.done $0x0  }
0x71: {  	v3 =	vor.u32 s28, v1;
	s23 =	simm.s32 @!p0 $0x4;
	[sflag:s15] =	ssyncadd.s32 $0xFFFFF000  }
0x72: {  	_ =	swait.ge @!p0 [sflag:s23], $0x800  }
0x73: {  	[sflag:s23] =	ssyncset.done @!p0 $0x0  }
0x74: {  	[sflag:s23] =	ssyncadd.s32 @!p0 $0xFFFFF800  }
0x75: {  	v2 =	vld.idx.msk [tilespmem:v2+s12+$0x0], $0xffff  }
0x76: {  	v3 =	vld.idx.msk [tilespmem:v3+s12+$0x0], $0xffff  }
0x77: {  	s29 =	simm.s32 $0x20  }
0x78: {  	v4 =	vor.u32 s29, v0  }
0x79: {  	v5 =	vor.u32 s29, v1;
	_ =	sdelay $0x1  }
0x7a: {  	s22 =	simm.s32 $0x8C20;
	v2 =	vpack.i.f32.bf16 v3, v2  }
0x7b: {  	[tilespmem:s22+$0xFFFFFFE0] =	vst v2  }
0x7c: {  	v2 =	vld.idx.msk [tilespmem:v4+s12+$0x0], $0xffff  }
0x7d: {  	v3 =	vld.idx.msk [tilespmem:v5+s12+$0x0], $0xffff  }
0x7e: {  	s30 =	simm.s32 $0x40  }
0x7f: {  	v4 =	vor.u32 s30, v0  }
0x80: {  	v5 =	vor.u32 s30, v1;
	_ =	sdelay $0x1  }
0x81: {  	v2 =	vpack.i.f32.bf16 v3, v2  }
0x82: {  	[tilespmem:s22+$0xFFFFFFF0] =	vst v2  }
0x83: {  	v2 =	vld.idx.msk [tilespmem:v4+s12+$0x0], $0xffff  }
0x84: {  	v3 =	vld.idx.msk [tilespmem:v5+s12+$0x0], $0xffff  }
0x85: {  	s31 =	simm.s32 $0x60  }
0x86: {  	v4 =	vor.u32 s31, v0  }
0x87: {  	v5 =	vor.u32 s31, v1;
	_ =	sdelay $0x1  }
0x88: {  	v2 =	vpack.i.f32.bf16 v3, v2  }
0x89: {  	[tilespmem:s22+$0x0] =	vst v2  }
0x8a: {  	v2 =	vld.idx.msk [tilespmem:v4+s12+$0x0], $0xffff  }
0x8b: {  	s25 =	simm.s32 $0x8;
	s24 =	simm.s32 $0x8C20;
	s23 =	simm.s32 $0x80;
	v3 =	vld.idx.msk [tilespmem:v5+s12+$0x0], $0xffff  }
.LBB2_5:
0x8c: {  	p0 =	sne.s32 s25, $0x7C  }
0x8d: {  	v4 =	vor.u32 s23, v0;
	v5 =	vor.u32 s23, v1;
	s22 =	sadd.s32 $0x40, s22;
	s26 =	smov.u32 s25;
	s25 =	sadd.s32 $0x4, s25  }
0x8e: {  	_ =	sdelay $0x1  }
0x8f: {  	v2 =	vpack.i.f32.bf16 v3, v2  }
0x90: {  	[tilespmem:s24+$0x10] =	vst v2;
	s24 =	smov.u32 s22  }
0x91: {  	v2 =	vld.idx.msk [tilespmem:v4+s12+$0x0], $0xffff  }
0x92: {  	v3 =	vld.idx.msk [tilespmem:v5+s12+$0x0], $0xffff;
	_ =	sdelay $0x1  }
0x93: {  	s28 =	sadd.s32 $0x20, s23  }
0x94: {  	v4 =	vor.u32 s28, v0;
	v5 =	vor.u32 s28, v1;
	_ =	sdelay $0x2  }
0x95: {  	v2 =	vpack.i.f32.bf16 v3, v2  }
0x96: {  	[tilespmem:s22+$0xFFFFFFE0] =	vst v2  }
0x97: {  	v2 =	vld.idx.msk [tilespmem:v4+s12+$0x0], $0xffff  }
0x98: {  	v3 =	vld.idx.msk [tilespmem:v5+s12+$0x0], $0xffff;
	_ =	sdelay $0x1  }
0x99: {  	s28 =	sadd.s32 $0x40, s23  }
0x9a: {  	v4 =	vor.u32 s28, v0;
	v5 =	vor.u32 s28, v1;
	_ =	sdelay $0x2  }
0x9b: {  	v2 =	vpack.i.f32.bf16 v3, v2  }
0x9c: {  	[tilespmem:s22+$0xFFFFFFF0] =	vst v2  }
0x9d: {  	v2 =	vld.idx.msk [tilespmem:v4+s12+$0x0], $0xffff  }
0x9e: {  	v3 =	vld.idx.msk [tilespmem:v5+s12+$0x0], $0xffff;
	_ =	sdelay $0x1  }
0x9f: {  	s23 =	sadd.s32 $0x60, s23  }
0xa0: {  	v4 =	vor.u32 s23, v0;
	v5 =	vor.u32 s23, v1;
	_ =	sdelay $0x2  }
0xa1: {  	v2 =	vpack.i.f32.bf16 v3, v2  }
.Ltmp1:
0xa2: {  	[tilespmem:s22+$0x0] =	vst v2;
	(pc) =	sbr.rel @p0 .LBB2_5-.Ltmp1, $3  }
0xa3: {  	v2 =	vld.idx.msk [tilespmem:v4+s12+$0x0], $0xffff  }
0xa4: {  	v3 =	vld.idx.msk [tilespmem:v5+s12+$0x0], $0xffff;
	_ =	sdelay $0x1  }
0xa5: {  	s23 =	sshll.u32 s26, $0x5  }
0xa6: {  	v4 =	vor.u32 s23, v0  }
0xa7: {  	v5 =	vor.u32 s23, v1;
	_ =	sdelay $0x1  }
0xa8: {  	v2 =	vpack.i.f32.bf16 v3, v2  }
0xa9: {  	[tilespmem:s24+$0x10] =	vst v2  }
0xaa: {  	v2 =	vld.idx.msk [tilespmem:v4+s12+$0x0], $0xffff  }
0xab: {  	v3 =	vld.idx.msk [tilespmem:v5+s12+$0x0], $0xffff  }
0xac: {  	s28 =	sadd.s32 $0x20, s23  }
0xad: {  	v58 =	vor.u32 s28, v0  }
0xae: {  	v59 =	vor.u32 s28, v1;
	_ =	sdelay $0x1  }
0xaf: {  	s22 =	sadd.s32 $0x40, s22;
	v2 =	vpack.i.f32.bf16 v3, v2  }
0xb0: {  	[tilespmem:s22+$0xFFFFFFE0] =	vst v2  }
0xb1: {  	v2 =	vld.idx.msk [tilespmem:v58+s12+$0x0], $0xffff  }
0xb2: {  	v3 =	vld.idx.msk [tilespmem:v59+s12+$0x0], $0xffff  }
0xb3: {  	s29 =	sadd.s32 $0x40, s23  }
0xb4: {  	v60 =	vor.u32 s29, v0  }
0xb5: {  	v61 =	vor.u32 s29, v1;
	_ =	sdelay $0x1  }
0xb6: {  	v2 =	vpack.i.f32.bf16 v3, v2  }
0xb7: {  	[tilespmem:s22+$0xFFFFFFF0] =	vst v2  }
0xb8: {  	v2 =	vld.idx.msk [tilespmem:v60+s12+$0x0], $0xffff  }
0xb9: {  	v3 =	vld.idx.msk [tilespmem:v61+s12+$0x0], $0xffff  }
0xba: {  	s30 =	sadd.s32 $0x60, s23  }
0xbb: {  	v62 =	vor.u32 s30, v0  }
0xbc: {  	v63 =	vor.u32 s30, v1;
	_ =	sdelay $0x1  }
0xbd: {  	v2 =	vpack.i.f32.bf16 v3, v2  }
0xbe: {  	[tilespmem:s22+$0x0] =	vst v2  }
0xbf: {  	v2 =	vld.idx.msk [tilespmem:v62+s12+$0x0], $0xffff  }
0xc0: {  	v3 =	vld.idx.msk [tilespmem:v63+s12+$0x0], $0xffff;
	_ =	sdelay $0x2  }
0xc1: {  	s31 =	sshll.u32 s20, $0x9;
	s20 =	sadd.s32 $0x1, s20  }
0xc2: {  	p0 =	sne.s32 s20, $0x64  }
.Ltmp2:
0xc3: {  	v2 =	vpack.i.f32.bf16 v3, v2;
	(pc) =	sbr.rel @p0 .LBB2_2-.Ltmp2, $4  }
0xc4: {  	s21 =	sadd.s32 @!p1 $0x180, s21;
	s23 =	simm.s32 @!p1 $0x7400;
	[tilespmem:s22+$0x10] =	vst v2;
	s22 =	simm.s32 @!p1 $0x80  }
0xc5: {  	[tilespmem:s23], [sflag:$0x2] =	stream.indirect.gather @!p1 [hbm4b:s3+s22], $0x20, s21, s22, $0xb8;
	[tilespmem:$0x9400] =	vst v63  }
0xc6: {  	s21 =	sadd.s32 s8, s31  }
0xc7: {  	[hbm4b:s21+s2] =	stream.linear.scatter [tilespmem:s16], [sflag:$0x4], $0x800, $0x38;
	[tilespmem:$0x9400] =	vst v63  }
0xc8: {  	s19 =	sadd.s32 $0x1, s19  }
0xc9: {  	_ =	swait.ge [sflag:s17], $0x800;
	p0 =	sne.s32 s19, s7  }
.Ltmp3:
0xca: {  	[sflag:s17] =	ssyncset.done $0x0;
	(pc) =	sbr.rel @p0 .LBB2_1-.Ltmp3, $4  }
0xcb: {  	[sflag:s17] =	ssyncadd.s32 $0xFFFFF800  }
0xcc: {  	_ =	swait.ge [sflag:s18], $0x800  }
0xcd: {  	[sflag:s18] =	ssyncset.done $0x0  }
0xce: {  	[sflag:s18] =	ssyncadd.s32 $0xFFFFF800  }
0xcf: {  	_ =	sfence.sel $0x180000  }
0xd0: {  	[bflag:$0x0] =	sbarrier.arrive $0xFFFF  }
0xd1: {  	p0 =	sne.s32 s1, $0x0;
	_ =	strace $0x90000047  }
0xd2: {  	s0 =	sadd.s32 @!p0 $0x100000, s0;
	[bflag:$0x2] =	sbarrier.arrive $0xFFFF  }
0xd3: {  	[sflag:s0] =	ssyncadd.tile.s32 @!p0 $0x1;
	_ =	shalt  }
.Lfunc_end2:
_tile_overlayer_lowered:
.L_overlay_start_2:
0xd4: {  	(tag) =	ssettag $0x2  }
0xd5: {  	s0 =	rddreg [dreg:$0x0];
	s2 =	stileid.u32  }
0xd6: {  	s1 =	rddreg [dreg:$0x1];
	p0 =	sne.s32 s2, $0x0  }
0xd7: {  	s3 =	rddreg [dreg:$0x2];
	[bflag:$0x3] =	sbarrier.arrive $0xFFFF;
	s2 =	simm.s32 @!p0 $0x1C05  }
0xd8: {  	[timem:s3], [sflag:s2] =	dma.local @!p0 [hbm:s0], s1  }
0xd9: {  	s0 =	simm.s32 @!p0 $0x5  }
0xda: {  	_ =	swait.ge @!p0 [sflag:s0], s1  }
0xdb: {  	s1 =	ssub.s32 @!p0 $0x0, s1;
	[sflag:s0] =	ssyncset.done @!p0 $0x0  }
0xdc: {  	[sflag:s0] =	ssyncadd.s32 @!p0 s1  }
0xdd: {  	[bflag:$0x3] =	sbarrier.arrive $0xFFFF  }
0xde: {  	_ =	shalt  }

// kernel: sparse-core-data-format-call.cloned.1.call-start
scs
called_computation_lowered:
.L_overlay_start_0:
0x0: {  	s2 =	sld [smem:$0x3FD9]  }
0x1: {  	s3 =	sld [smem:$0x3FFE];
	_ =	sdelay $0x1  }
0x2: {  	s1 =	srdreg.scid  }
0x3: {  	s0 =	sand.u32 $0x1, s1  }
0x4: {  	s18 =	sshll.u32 s0, $0xA;
	s2 =	sadd.s32 s3, s2  }
0x5: {  	s2 =	sadd.s32 s2, s18  }
0x6: {  	[smem:$0x3FC6] =	sst s2  }
0x7: {  	_ = 	snop  }
0x8: {  	s2 =	sld [smem:$0x3FD0];
	(tm) =	ssettm $0x1  }
0x9: {  	s19 =	sld [smem:$0x3FFB];
	_ =	sdelay $0x3  }
0xa: {  	_ =	strace s19  }
0xb: {  	s3 =	sld [smem:$0x3FFC];
	_ =	sdelay $0x3  }
0xc: {  	_ =	strace s3  }
0xd: {  	s3 =	sld [smem:$0x3FFD];
	_ =	sdelay $0x3  }
0xe: {  	_ =	strace s3  }
0xf: {  	_ =	strace $0x8FFFFFFF  }
0x10: {  	s20 =	sld [smem:$0x3FDB];
	_ =	sdelay $0x1  }
0x11: {  	s4 =	simm.s32 $_scs_section_size  }
0x12: {  	s5 =	simm.s32 $_size__tile_overlayer_lowered;
	s6 =	simm.s32 $_tile_overlayer_lowered  }
0x13: {  	s23 =	simm.s32 $0x1BFF;
	s22 =	sshll.u32 s6, $0x1;
	s3 =	sadd.s32 s4, s20  }
0x14: {  	s7 =	simm.s32 $0x0;
	s21 =	sshll.u32 s5, $0x1;
	s5 =	sadd.s32 s22, s3  }
0x15: {  	[timem:s7], [sflag:s23] =	dma.local [hbm:s5], s21  }
0x16: {  	_ =	swait.ge [sflag:s23], s21  }
0x17: {  	s4 =	ssub.s32 $0x0, s21;
	[sflag:s23] =	ssyncset.done $0x0  }
0x18: {  	[sflag:s23] =	ssyncadd.s32 s4;
	_ =	sdelay $0x1  }
0x19: {  	s24 =	simm.s32 $0x1B8B  }
0x1a: {  	_ =	swait.ge [sflag:s24], $0x1  }
0x1b: {  	[sflag:s24] =	ssyncset.done $0x0  }
0x1c: {  	s26 =	simm.s32 $0x1B8E;
	s25 =	sld [smem:$0x3FFE];
	[sflag:s24] =	ssyncadd.s32 $0xFFFFFFFF  }
0x1d: {  	s27 =	simm.s32 $execute0_lowered;
	[smem:$0x3FD2] =	sst s26  }
0x1e: {  	s5 =	sshll.u32 s27, $0x1;
	_ =	strace $0x80000049;
	[dreg:$0x1] =	wrdreg $0xFFFFFFFF  }
0x1f: {  	s28 =	simm.s32 $_size_execute0_lowered;
	s3 =	sadd.s32 s3, s5;
	[dreg:$0x0] =	wrdreg $0x0  }
0x20: {  	s5 =	sshll.u32 s28, $0x1;
	[dreg:$0x2] =	wrdreg s3  }
0x21: {  	[dreg:$0x3] =	wrdreg s5  }
0x22: {  	[dreg:$0x4] =	wrdreg $0xC0  }
0x23: {  	_ =	task [dreg:s7], $0x5FFFF  }
0x24: {  	[dreg:$0x1] =	wrdreg $0xFFFFFFFF  }
0x25: {  	[dreg:$0x0] =	wrdreg $0x60  }
0x26: {  	[dreg:$0x2] =	wrdreg s25  }
0x27: {  	[dreg:$0x3] =	wrdreg s2  }
0x28: {  	[dreg:$0x4] =	wrdreg $0x9  }
0x29: {  	_ =	task.clear_ibuf [dreg:s7], $0x5FFFF;
	_ =	strace $0x90000049  }
0x2a: {  	s29 =	simm.s32 $0x9;
	_ =	strace $0x8000004B  }
0x2b: {  	_ =	swait.ge [sflag:s29], $0x1  }
0x2c: {  	[sflag:s29] =	ssyncadd.s32 $0xFFFFFFFF  }
0x2d: {  	_ =	strace $0x9000004B  }
0x2e: {  	_ =	sfence  }
0x2f: {  	s30 =	sld [smem:$0x0];
	_ =	sdelay $0x2  }
0x30: {  	s31 =	sshll.u32 s1, $0xD;
	s1 =	sshrl.u32 s1, $0x2  }
0x31: {  	s3 =	sand.u32 $0x4000, s31;
	s1 =	sadd.s32 s1, s30  }
0x32: {  	s0 =	sor.u32 s3, s0;
	s1 =	sshll.u32 s1, $0x11  }
0x33: {  	s0 =	sor.u32 s1, s0  }
0x34: {  	s0 =	sadd.s32 $0x8F2B, s0  }
0x35: {  	[sflag:s0] =	ssyncadd.remote.s32 $0x1  }
0x36: {  	_ =	sfence.sel $0xFFFF  }
0x37: {  	[dreg:$0x0] =	wrdreg $0xFFFFFFFF;
	(pc) =	sbr.abs _section_cstart, $3  }
0x38: {  	[dreg:$0x1] =	wrdreg $0xFFFFFFFF  }
0x39: {  	_ =	task.clear_ibuf [dreg:s7], $0x2FFFF;
	_ =	strace $0x9FFFFFFF  }
0x3a: {  	(tm) =	ssettm $0x7FFFFFFF  }
0x3b: {  	_ =	shalt  }
tec
execute0_lowered:
.L_overlay_start_1:
0x0: {  	(tag) =	ssettag $0x1  }
0x1: {  	s0 =	srdreg.scid  }
0x2: {  	s1 =	sshll.u32 s0, $0x4  }
0x3: {  	s4 =	rddreg [dreg:$0x0];
	s0 =	stileid.u32;
	s1 =	sand.u32 $0x10, s1  }
0x4: {  	s2 =	rddreg [dreg:$0x1];
	s7 =	simm.s32 $0x1;
	s1 =	sor.u32 s0, s1  }
0x5: {  	s8 =	simm.s32 $0x2;
	s9 =	simm.s32 $0x0;
	s3 =	sshll.u32 s1, $0x4  }
0x6: {  	s12 =	simm.s32 $0x0;
	s11 =	simm.s32 $0x0;
	s6 =	ssub.s32 $0x3200, s3  }
.Ltmp0:
0x7: {  	s4 =	sadd.s32 $0x800, s4;
	s5 =	sand.u32 $0x1F0, s6;
	(pc) =	sbr.rel .LBB1_1-.Ltmp0, $4  }
0x8: {  	s1 =	rddreg [dreg:$0x2];
	_ =	strace $0x8000004A;
	p0 =	sne.s32 s5, $0x0  }
0x9: {  	s6 =	sshrl.u32 s6, $0x9;
	s5 =	simm.s32 $0x1;
	s7 =	simm.s32 @!p0 $0x0  }
0xa: {  	s10 =	smov.u32 s3;
	[sflag:s5] =	ssyncpa.u1 $0x0;
	s6 =	sadd.s32 s7, s6  }
0xb: {  	[sflag:s8] =	ssyncpa.u1 $0x0;
	s8 =	simm.s32 $0x0;
	s7 =	sadd.s32 $0x1, s6  }
.LBB1_7:
0xc: {  	s14 =	sadd.s32 $0x200, s10  }
0xd: {  	p1 =	sgt.s32 s14, $0x31FF  }
0xe: {  	s14 =	smov.u32 @p1 s3;
	p1 =	sne.s32 s11, s7  }
.Ltmp1:
0xf: {  	p0 =	slt.u32 s11, $0x2;
	(pc) =	sbr.rel @!p1 .LBB1_8-.Ltmp1, $4  }
0x10: {  	s13 =	simm.s32 @!p0 $0x2  }
0x11: {  	s15 =	sadd.s32 $0x1, s11;
	_ =	swait.ge @!p0 [sflag:s13], $0x4000  }
0x12: {  	s12 =	smov.u32 s10;
	s9 =	sadd.s32 $0x8000, s9;
	[sflag:s13] =	ssyncset.done @!p0 $0x0  }
0x13: {  	s11 =	smov.u32 s15;
	s10 =	smov.u32 s14;
	[sflag:s13] =	ssyncadd.s32 @!p0 $0xFFFFC000  }
.LBB1_1:
0x14: {  	p0 =	sge.u32 s11, s6  }
0x15: {  	s13 =	sxor.u32 @!p0 $0xFFFFFFFF, s11  }
0x16: {  	s31 =	sadd.s32 $0xFFFFFFFF, s11;
	s14 =	sshll.u32 @!p0 s10, $0x7;
	s13 =	sshll.u32 @!p0 s13, $0xE  }
0x17: {  	s15 =	simm.s32 @!p0 $0x0;
	s14 =	sadd.s32 @!p0 s4, s14;
	s13 =	sand.u32 @!p0 $0x4000, s13  }
0x18: {  	[tilespmem:s13], [sflag:$0x1] =	stream.linear.gather @!p0 [hbm4b:s14+s15], $0x4000, $0x38;
	[tilespmem:$0x10000] =	vst v63  }
0x19: {  	p0 =	sge.u32 s31, s6  }
.Ltmp2:
0x1a: {  	_ = 	snop;
	(pc) =	sbr.rel @p0 .LBB1_7-.Ltmp2, $1  }
0x1b: {  	_ =	sdelay $0x3  }
0x1c: {  	s13 =	sshrl.u32 s9, $0x1;
	_ =	swait.ge [sflag:s5], $0x4000  }
0x1d: {  	s15 =	sshll.u32 s11, $0xE;
	s16 =	simm.s32 $0x0;
	s14 =	sand.u32 $0x4000, s13  }
0x1e: {  	[sflag:s5] =	ssyncset.done $0x0;
	s15 =	sand.u32 $0x4000, s15;
	s13 =	sor.u32 $0x200, s14  }
0x1f: {  	s14 =	sor.u32 $0x8080, s14;
	[sflag:s5] =	ssyncadd.s32 $0xFFFFC000;
	s15 =	sor.u32 $0x8000, s15  }
.LBB1_3:
0x20: {  	v0 =	vld [tilespmem:s13+$0xFFFFFE70]  }
0x21: {  	v1 =	vld [tilespmem:s13+$0x70]  }
0x22: {  	v2 =	vld [tilespmem:s13+$0x0]  }
0x23: {  	v3 =	vld [tilespmem:s13+$0xFFFFFE10]  }
0x24: {  	v4 =	vld [tilespmem:s13+$0x10]  }
0x25: {  	v5 =	vld [tilespmem:s13+$0xFFFFFE20]  }
0x26: {  	v7 =	vld [tilespmem:s13+$0x20]  }
0x27: {  	v11 =	vld [tilespmem:s13+$0x30];
	v6 =	vunpack.i.l.s16.s32 v0;
	v8 =	vunpack.i.u.s16.s32 v0;
	v9 =	vunpack.i.u.s16.s32 v1  }
0x28: {  	v10 =	vunpack.i.l.s16.s32 v1;
	v0 =	vunpack.i.u.s16.s32 v2;
	v1 =	vunpack.i.l.s16.s32 v2;
	v2 =	vld [tilespmem:s13+$0xFFFFFE30]  }
0x29: {  	v8 =	vpack.i.b32.b16 v9, v8;
	v9 =	vunpack.i.u.s16.s32 v3;
	v3 =	vunpack.i.l.s16.s32 v3  }
0x2a: {  	v12 =	vld [tilespmem:s13+$0xFFFFFE40];
	v6 =	vpack.i.b32.b16 v10, v6;
	[tilespmem:s14+$0x70] =	vst v8;
	v8 =	vunpack.i.u.s16.s32 v4;
	v4 =	vunpack.i.l.s16.s32 v4  }
0x2b: {  	v13 =	vld [tilespmem:s13+$0x40];
	v10 =	vunpack.i.u.s16.s32 v5;
	v5 =	vunpack.i.l.s16.s32 v5;
	[tilespmem:s14+$0xFFFFFFF0] =	vst v6;
	v3 =	vpack.i.b32.b16 v4, v3  }
0x2c: {  	v6 =	vunpack.i.l.s16.s32 v7;
	v4 =	vld [tilespmem:s13+$0xFFFFFE50];
	[tilespmem:s14+$0xFFFFFF90] =	vst v3;
	v3 =	vpack.i.b32.b16 v8, v9;
	v8 =	vunpack.i.u.s16.s32 v7  }
0x2d: {  	v7 =	vunpack.i.l.s16.s32 v11;
	[tilespmem:s14+$0x10] =	vst v3;
	v3 =	vpack.i.b32.b16 v6, v5;
	v9 =	vunpack.i.u.s16.s32 v2;
	v6 =	vld [tilespmem:s13+$0x50]  }
0x2e: {  	v5 =	vunpack.i.l.s16.s32 v2;
	v2 =	vld [tilespmem:s13+$0xFFFFFE60];
	[tilespmem:s14+$0xFFFFFFA0] =	vst v3;
	v3 =	vpack.i.b32.b16 v8, v10;
	v10 =	vunpack.i.u.s16.s32 v11  }
0x2f: {  	s19 =	simm.s32 $0x0;
	v11 =	vpack.i.b32.b16 v7, v5;
	v7 =	vunpack.i.u.s16.s32 v12;
	v8 =	vunpack.i.l.s16.s32 v12;
	[tilespmem:s14+$0x20] =	vst v3;
	v3 =	vld [tilespmem:s13+$0x60]  }
0x30: {  	s20 =	sadd.s32 $0x80, s13;
	s18 =	smov.u32 s14;
	s17 =	smov.u32 s14;
	v5 =	vld [tilespmem:s13+$0xFFFFFE00];
	[tilespmem:s14+$0xFFFFFFB0] =	vst v11;
	v10 =	vpack.i.b32.b16 v10, v9;
	v9 =	vunpack.i.u.s16.s32 v13;
	v11 =	vunpack.i.l.s16.s32 v13  }
.LBB1_4:
0x31: {  	v12 =	vld [tilespmem:s20+$0xFFFFFE70];
	[tilespmem:s18+$0x30] =	vst v10;
	v8 =	vpack.i.b32.b16 v11, v8;
	v10 =	vunpack.i.u.s16.s32 v4;
	v4 =	vunpack.i.l.s16.s32 v4  }
0x32: {  	s19 =	sadd.s32 $0x2, s19;
	v7 =	vpack.i.b32.b16 v9, v7;
	v11 =	vld [tilespmem:s20+$0x70];
	[tilespmem:s18+$0xFFFFFFC0] =	vst v8;
	v8 =	vunpack.i.u.s16.s32 v6;
	v6 =	vunpack.i.l.s16.s32 v6  }
0x33: {  	p0 =	slt.u32 s19, $0x6;
	v9 =	vld [tilespmem:s20+$0x0];
	[tilespmem:s18+$0x40] =	vst v7;
	v4 =	vpack.i.b32.b16 v6, v4;
	v6 =	vunpack.i.u.s16.s32 v2;
	v2 =	vunpack.i.l.s16.s32 v2  }
0x34: {  	v7 =	vld [tilespmem:s20+$0xFFFFFE10];
	[tilespmem:s18+$0xFFFFFFD0] =	vst v4;
	v4 =	vpack.i.b32.b16 v8, v10;
	v8 =	vunpack.i.u.s16.s32 v3;
	v3 =	vunpack.i.l.s16.s32 v3  }
0x35: {  	v10 =	vld [tilespmem:s20+$0x10];
	v13 =	vunpack.i.u.s16.s32 v5;
	v5 =	vunpack.i.l.s16.s32 v5;
	[tilespmem:s18+$0x50] =	vst v4;
	v2 =	vpack.i.b32.b16 v3, v2  }
0x36: {  	v3 =	vld [tilespmem:s20+$0xFFFFFE20];
	v4 =	vunpack.i.l.s16.s32 v12;
	v1 =	vpack.i.b32.b16 v1, v5;
	v5 =	vpack.i.b32.b16 v0, v13;
	[tilespmem:s18+$0xFFFFFFE0] =	vst v2  }
0x37: {  	v12 =	vunpack.i.u.s16.s32 v12;
	v2 =	vld [tilespmem:s20+$0x20];
	v13 =	vunpack.i.u.s16.s32 v11;
	v11 =	vunpack.i.l.s16.s32 v11;
	[tilespmem:s18+$0xFFFFFF80] =	vst v1  }
0x38: {  	s18 =	sadd.s32 $0x100, s18;
	v0 =	vunpack.i.u.s16.s32 v9;
	v1 =	vunpack.i.l.s16.s32 v9;
	v9 =	vld [tilespmem:s20+$0xFFFFFE30];
	v12 =	vpack.i.b32.b16 v13, v12;
	[tilespmem:s17+$0x0] =	vst v5  }
0x39: {  	v6 =	vpack.i.b32.b16 v8, v6;
	v5 =	vunpack.i.u.s16.s32 v7;
	v7 =	vunpack.i.l.s16.s32 v7;
	v13 =	vld [tilespmem:s20+$0x30];
	[tilespmem:s18+$0x70] =	vst v12  }
0x3a: {  	v4 =	vpack.i.b32.b16 v11, v4;
	v8 =	vunpack.i.u.s16.s32 v10;
	v10 =	vunpack.i.l.s16.s32 v10;
	v12 =	vld [tilespmem:s20+$0xFFFFFE40];
	[tilespmem:s17+$0x60] =	vst v6;
	s17 =	smov.u32 s18  }
0x3b: {  	v6 =	vpack.i.b32.b16 v10, v7;
	v7 =	vunpack.i.u.s16.s32 v3;
	v3 =	vunpack.i.l.s16.s32 v3;
	v11 =	vld [tilespmem:s20+$0x40];
	[tilespmem:s18+$0xFFFFFFF0] =	vst v4  }
.Ltmp3:
0x3c: {  	v5 =	vpack.i.b32.b16 v8, v5;
	[tilespmem:s18+$0xFFFFFF90] =	vst v6;
	v8 =	vunpack.i.u.s16.s32 v2;
	v2 =	vunpack.i.l.s16.s32 v2;
	v4 =	vld [tilespmem:s20+$0xFFFFFE50];
	(pc) =	sbr.rel @p0 .LBB1_4-.Ltmp3, $4  }
0x3d: {  	[tilespmem:s18+$0x10] =	vst v5;
	v2 =	vpack.i.b32.b16 v2, v3;
	v10 =	vunpack.i.u.s16.s32 v9;
	v3 =	vunpack.i.l.s16.s32 v9;
	v6 =	vld [tilespmem:s20+$0x50]  }
0x3e: {  	v5 =	vpack.i.b32.b16 v8, v7;
	[tilespmem:s18+$0xFFFFFFA0] =	vst v2;
	v9 =	vunpack.i.u.s16.s32 v13;
	v7 =	vunpack.i.l.s16.s32 v13;
	v2 =	vld [tilespmem:s20+$0xFFFFFE60]  }
0x3f: {  	[tilespmem:s18+$0x20] =	vst v5;
	v13 =	vpack.i.b32.b16 v7, v3;
	v7 =	vunpack.i.u.s16.s32 v12;
	v8 =	vunpack.i.l.s16.s32 v12;
	v3 =	vld [tilespmem:s20+$0x60]  }
0x40: {  	v10 =	vpack.i.b32.b16 v9, v10;
	v5 =	vld [tilespmem:s20+$0xFFFFFE00];
	[tilespmem:s18+$0xFFFFFFB0] =	vst v13;
	v9 =	vunpack.i.u.s16.s32 v11;
	v11 =	vunpack.i.l.s16.s32 v11;
	s20 =	sadd.s32 $0x80, s20  }
0x41: {  	[tilespmem:s18+$0x30] =	vst v10;
	v8 =	vpack.i.b32.b16 v11, v8  }
0x42: {  	v51 =	vunpack.i.l.s16.s32 v4;
	v7 =	vpack.i.b32.b16 v9, v7;
	[tilespmem:s18+$0xFFFFFFC0] =	vst v8;
	v52 =	vunpack.i.l.s16.s32 v6  }
0x43: {  	v53 =	vunpack.i.u.s16.s32 v4;
	s16 =	sadd.s32 $0x1, s16;
	v54 =	vunpack.i.u.s16.s32 v6;
	[tilespmem:s18+$0x40] =	vst v7;
	v55 =	vpack.i.b32.b16 v52, v51  }
0x44: {  	p0 =	sne.s32 s16, $0x10;
	v56 =	vunpack.i.l.s16.s32 v2;
	v4 =	vpack.i.b32.b16 v54, v53;
	[tilespmem:s18+$0xFFFFFFD0] =	vst v55;
	v57 =	vunpack.i.l.s16.s32 v3  }
.Ltmp4:
0x45: {  	[tilespmem:s18+$0x50] =	vst v4;
	v58 =	vunpack.i.l.s16.s32 v5;
	v59 =	vpack.i.b32.b16 v57, v56;
	(pc) =	sbr.rel @p0 .LBB1_3-.Ltmp4, $4  }
0x46: {  	v61 =	vunpack.i.u.s16.s32 v2;
	v62 =	vunpack.i.u.s16.s32 v3;
	v1 =	vpack.i.b32.b16 v1, v58;
	[tilespmem:s18+$0xFFFFFFE0] =	vst v59  }
0x47: {  	v60 =	vunpack.i.u.s16.s32 v5;
	v63 =	vpack.i.b32.b16 v62, v61;
	[tilespmem:s18+$0xFFFFFF80] =	vst v1  }
0x48: {  	v0 =	vpack.i.b32.b16 v0, v60;
	[tilespmem:s17+$0x60] =	vst v63  }
0x49: {  	s13 =	sadd.s32 $0x400, s13;
	s14 =	sadd.s32 $0x400, s14;
	[tilespmem:s17+$0x0] =	vst v0  }
.Ltmp5:
0x4a: {  	(pc) =	sbr.rel .LBB1_7-.Ltmp5, $4  }
0x4b: {  	_ = 	snop  }
0x4c: {  	s12 =	sshll.u32 s12, $0x7  }
0x4d: {  	s12 =	sadd.s32 s2, s12  }
0x4e: {  	[hbm4b:s12+s8] =	stream.linear.scatter [tilespmem:s15], [sflag:$0x2], $0x4000, $0x38;
	[tilespmem:$0x10000] =	vst v63  }
.LBB1_8:
0x4f: {  	_ =	sfence.sel $0x180000  }
0x50: {  	s2 =	simm.s32 $0x1;
	[bflag:$0x0] =	sbarrier.arrive $0xFFFF  }
0x51: {  	s31 =	simm.s32 $0x2;
	[sflag:s2] =	ssyncpa.u1 $0x1  }
0x52: {  	[sflag:s31] =	ssyncpa.u1 $0x1  }
0x53: {  	p0 =	sne.s32 s0, $0x0;
	_ =	strace $0x9000004A  }
0x54: {  	s0 =	sadd.s32 @!p0 $0x100000, s1;
	[bflag:$0x2] =	sbarrier.arrive $0xFFFF  }
0x55: {  	[sflag:s0] =	ssyncadd.tile.s32 @!p0 $0x1;
	_ =	shalt  }
.Lfunc_end1:
_tile_overlayer_lowered:
.L_overlay_start_2:
0x56: {  	(tag) =	ssettag $0x2  }
0x57: {  	s0 =	rddreg [dreg:$0x0];
	s2 =	stileid.u32  }
0x58: {  	s1 =	rddreg [dreg:$0x1];
	p0 =	sne.s32 s2, $0x0  }
0x59: {  	s3 =	rddreg [dreg:$0x2];
	[bflag:$0x3] =	sbarrier.arrive $0xFFFF;
	s2 =	simm.s32 @!p0 $0x1C01  }
0x5a: {  	[timem:s3], [sflag:s2] =	dma.local @!p0 [hbm:s0], s1  }
0x5b: {  	s0 =	simm.s32 @!p0 $0x1  }
0x5c: {  	_ =	swait.ge @!p0 [sflag:s0], s1  }
0x5d: {  	s1 =	ssub.s32 @!p0 $0x0, s1;
	[sflag:s0] =	ssyncset.done @!p0 $0x0  }
0x5e: {  	[sflag:s0] =	ssyncadd.s32 @!p0 s1  }
0x5f: {  	[bflag:$0x3] =	sbarrier.arrive $0xFFFF  }
0x60: {  	_ =	shalt  }

</sc_bundles>
